<compile_context>
chip_gen: v7x
topology: tpu7x:2x2x1
jax: 0.10.2.dev20260603
libtpu: 0.0.44.dev20260713+nightly
codegen_flags: <defaults>
</compile_context>

<pallas_src>
import functools

import jax
import jax.numpy as jnp
from jax import lax
from jax.experimental import pallas as pl
from jax.experimental.pallas import tpu as pltpu
from jax.experimental.pallas import tpu_sc as plsc

N_NODES = 10000
D = 128
E = 320000

NC = 2
NS = 16
CH = 80
NCHUNK = E // CH
CH_PER_SC = NCHUNK // NC
CH_PER_TILE = CH_PER_SC // NS
N_PAD = 10240
RPT = N_PAD // NS
BB = 64
NBB = RPT // BB


def _make_agg():
    mesh = plsc.VectorSubcoreMesh(core_axis_name="c", subcore_axis_name="s")

    @functools.partial(
        pl.kernel,
        mesh=mesh,
        out_type=[
            jax.ShapeDtypeStruct((NC, N_PAD, D), jnp.float32),
            jax.ShapeDtypeStruct((NC, N_PAD, D), jnp.float32),
        ],
        scratch_types=[
            pltpu.VMEM((CH,), jnp.int32),
            pltpu.VMEM((CH,), jnp.int32),
            pltpu.VMEM((CH,), jnp.int32),
            pltpu.VMEM((CH,), jnp.int32),
            pltpu.VMEM((CH, D), jnp.float32),
            pltpu.VMEM((CH, D), jnp.float32),
            pltpu.VMEM((CH, D), jnp.float32),
            pltpu.VMEM((BB, D), jnp.float32),
            pltpu.VMEM((RPT,), jnp.int32),
            pltpu.VMEM((BB,), jnp.int32),
            pltpu.VMEM_SHARED((N_PAD, D), jnp.float32),
            pltpu.SemaphoreType.DMA,
            pltpu.SemaphoreType.DMA,
        ],
    )
    def agg(src_hbm, dst_hbm, x_hbm, ones_hbm, zf_hbm, seq_hbm,
            psum_hbm, pdeg_hbm,
            src_a, dst_a, src_b, dst_b, rows_a, rows_b, ones_v,
            buf_v, seq_v, seq1_v,
            sum_sh, sem, semb):
        cid = lax.axis_index("c")
        sid = lax.axis_index("s")
        nb = sid * RPT

        pltpu.sync_copy(zf_hbm, buf_v)
        pltpu.sync_copy(ones_hbm, ones_v)
        pltpu.sync_copy(seq_hbm.at[pl.ds(nb, RPT)], seq_v)

        def zinit(t, carry):
            pltpu.sync_copy(seq_hbm.at[pl.ds(nb + t * BB, BB)], seq1_v)
            pltpu.sync_copy(buf_v, sum_sh.at[seq1_v])
            return carry

        lax.fori_loop(0, NBB, zinit, 0)
        plsc.subcore_barrier()

        base_chunk = cid * CH_PER_SC + sid

        def eoff(k):
            return (base_chunk + jnp.minimum(k, CH_PER_TILE - 1) * NS) * CH

        def start(k, src_x, rows_x, sem_x):
            e0 = eoff(k)
            pltpu.sync_copy(src_hbm.at[pl.ds(e0, CH)], src_x)
            pltpu.async_copy(x_hbm.at[src_x], rows_x, sem_x)

        def ldst(k, dst_x):
            pltpu.sync_copy(dst_hbm.at[pl.ds(eoff(k), CH)], dst_x)

        def drain(rows_x, sem_x):
            pltpu.make_async_copy(x_hbm.at[pl.ds(0, CH)], rows_x, sem_x).wait()

        ldst(0, dst_a)
        start(0, src_a, rows_a, sem)
        ldst(1, dst_b)
        start(1, src_b, rows_b, semb)

        def body(q, carry):
            c = 2 * q
            drain(rows_a, sem)
            pltpu.sync_copy(rows_a, sum_sh.at[dst_a], add=True)
            ldst(c + 2, dst_a)
            start(c + 2, src_a, rows_a, sem)
            drain(rows_b, semb)
            pltpu.sync_copy(rows_b, sum_sh.at[dst_b], add=True)
            ldst(c + 3, dst_b)
            start(c + 3, src_b, rows_b, semb)
            return carry

        lax.fori_loop(0, (CH_PER_TILE - 1) // 2, body, 0)
        drain(rows_a, sem)
        pltpu.sync_copy(rows_a, sum_sh.at[dst_a], add=True)
        drain(rows_b, semb)
        plsc.subcore_barrier()

        def wout_sum(t, carry):
            r0 = nb + t * BB
            idx = seq_v.at[pl.ds(t * BB, BB)]
            pltpu.async_copy(sum_sh.at[idx], buf_v, sem).wait()
            pltpu.sync_copy(buf_v, psum_hbm.at[cid, pl.ds(r0, BB)])
            return carry

        lax.fori_loop(0, NBB, wout_sum, 0)
        plsc.subcore_barrier()

        pltpu.sync_copy(zf_hbm, buf_v)
        lax.fori_loop(0, NBB, zinit, 0)
        plsc.subcore_barrier()

        def drain2(sem_x):
            pltpu.make_async_copy(ones_v, sum_sh.at[dst_a], sem_x).wait()

        ldst(0, dst_a)
        pltpu.async_copy(ones_v, sum_sh.at[dst_a], sem, add=True)
        ldst(1, dst_b)
        pltpu.async_copy(ones_v, sum_sh.at[dst_b], semb, add=True)

        def body2(q, carry):
            c = 2 * q
            drain2(sem)
            ldst(c + 2, dst_a)
            pltpu.async_copy(ones_v, sum_sh.at[dst_a], sem, add=True)
            drain2(semb)
            ldst(c + 3, dst_b)
            pltpu.async_copy(ones_v, sum_sh.at[dst_b], semb, add=True)
            return carry

        lax.fori_loop(0, (CH_PER_TILE - 3) // 2, body2, 0)
        drain2(sem)
        ldst(CH_PER_TILE - 1, dst_a)
        pltpu.async_copy(ones_v, sum_sh.at[dst_a], sem, add=True)
        drain2(semb)
        drain2(sem)
        plsc.subcore_barrier()

        def wout_deg(t, carry):
            r0 = nb + t * BB
            idx = seq_v.at[pl.ds(t * BB, BB)]
            pltpu.async_copy(sum_sh.at[idx], buf_v, sem).wait()
            pltpu.sync_copy(buf_v, pdeg_hbm.at[cid, pl.ds(r0, BB)])
            return carry

        lax.fori_loop(0, NBB, wout_deg, 0)

    return agg


_AGG = _make_agg()

BN = 1000


def _tc_body(x_ref, ps_ref, pd_ref, wst_ref, wnt_ref, b_ref, o_ref):
    s = ps_ref[0] + ps_ref[1]
    deg = pd_ref[0, :, :1] + pd_ref[1, :, :1]
    h = s / jnp.maximum(deg, 1.0)
    acc = jnp.dot(x_ref[...], wst_ref[...], preferred_element_type=jnp.float32)
    acc = acc + jnp.dot(h, wnt_ref[...], preferred_element_type=jnp.float32)
    o_ref[...] = acc + b_ref[...]


def _combine(x, psum, pdeg, wst, wnt, b):
    return pl.pallas_call(
        _tc_body,
        grid=(N_NODES // BN,),
        in_specs=[
            pl.BlockSpec((BN, D), lambda i: (i, 0)),
            pl.BlockSpec((NC, BN, D), lambda i: (0, i, 0)),
            pl.BlockSpec((NC, BN, D), lambda i: (0, i, 0)),
            pl.BlockSpec((D, D), lambda i: (0, 0)),
            pl.BlockSpec((D, D), lambda i: (0, 0)),
            pl.BlockSpec((1, D), lambda i: (0, 0)),
        ],
        out_specs=pl.BlockSpec((BN, D), lambda i: (i, 0)),
        out_shape=jax.ShapeDtypeStruct((N_NODES, D), jnp.float32),
    )(x, psum, pdeg, wst, wnt, b)


def kernel(act_flag, x, edge_index, W_self, b_self, W_neigh, b_neigh):
    src = edge_index[0].astype(jnp.int32)
    dst = edge_index[1].astype(jnp.int32)
    ones = jnp.ones((CH, D), jnp.float32)
    zf = jnp.zeros((BB, D), jnp.float32)
    seq = jnp.arange(N_PAD, dtype=jnp.int32)
    psum, pdeg = _AGG(src, dst, x, ones, zf, seq)
    b = (b_self + b_neigh)[None, :]
    return _combine(x, psum, pdeg, W_self.T, W_neigh.T, b)

# --- scband reference (transcript-rebuilt; emitter-appended) ---
"""Pipeline reference for scband-sageconv-89799176224850 (READ-ONLY COPY).

The authoritative reference and input builder live on the scoring server;
editing this copy changes nothing except your own understanding.
"""

import jax, jax.numpy as jnp
import numpy as np

N_NODES = 10000
N_EDGES = 320000
D_IN = 128
D_OUT = 128


def setup_inputs(seed: int = 0) -> dict:
    key = jax.random.key(seed)
    k1, k2, k3, k4, k5, k6 = jax.random.split(key, 6)
    x = jax.random.normal(k1, (N_NODES, D_IN), dtype=jnp.float32)
    edge_index = jax.random.randint(k2, (2, N_EDGES), 0, N_NODES)
    scale = 1.0 / np.sqrt(D_IN)
    W_self = jax.random.normal(k3, (D_OUT, D_IN), dtype=jnp.float32) * scale
    b_self = jnp.zeros((D_OUT,), dtype=jnp.float32)
    W_neigh = jax.random.normal(k4, (D_OUT, D_IN), dtype=jnp.float32) * scale
    b_neigh = jnp.zeros((D_OUT,), dtype=jnp.float32)
    return {
        "act_flag": 1,
        "x": x,
        "edge_index": edge_index,
        "W_self": W_self,
        "b_self": b_self,
        "W_neigh": W_neigh,
        "b_neigh": b_neigh,
    }


def reference(act_flag, x, edge_index, W_self, b_self, W_neigh, b_neigh):
    # SAGEConv with aggregator_type='mean', include=True, feat_drop=0, activation=None.
    # graph.update_all(copy_src('h','m'), mean('m','neigh')):
    src = edge_index[0]
    dst = edge_index[1]
    msgs = jnp.take(x, src, axis=0)  # gather source features over edges
    summed = jax.ops.segment_sum(msgs, dst, num_segments=N_NODES)
    deg = jax.ops.segment_sum(jnp.ones((msgs.shape[0],), dtype=x.dtype), dst, num_segments=N_NODES)
    h_neigh = summed / jnp.clip(deg, 1.0)[:, None]
    # include=True -> feat_dst = feat_src[:num_dst_nodes] == x (full graph)
    h_self = x
    rst = h_self @ W_self.T + b_self + h_neigh @ W_neigh.T + b_neigh
    # activation is None, so act_flag has no effect
    return rst

if __name__ == "__main__":
    import jax
    _d = setup_inputs()
    print(jax.jit(kernel)(*tuple(_d.values())))

</pallas_src>

<mosaic_0001>
#map = affine_map<(d0, d1) -> (0)>
#map1 = affine_map<(d0, d1) -> (0, 0)>
#map2 = affine_map<(d0, d1) -> (0, 0, 0)>
module attributes {stable_mosaic.version = 14 : i64} {
  func.func @agg(%arg0: i32, %arg1: i32, %arg2: memref<320000xi32, #tpu.memory_space<hbm>>, %arg3: memref<320000xi32, #tpu.memory_space<hbm>>, %arg4: memref<10000x128xf32, #tpu.memory_space<hbm>>, %arg5: memref<80x128xf32, #tpu.memory_space<hbm>>, %arg6: memref<64x128xf32, #tpu.memory_space<hbm>>, %arg7: memref<10240xi32, #tpu.memory_space<hbm>>, %arg8: memref<2x10240x128xf32, #tpu.memory_space<hbm>>, %arg9: memref<2x10240x128xf32, #tpu.memory_space<hbm>>, %arg10: memref<80xi32, #tpu.memory_space<vmem>>, %arg11: memref<80xi32, #tpu.memory_space<vmem>>, %arg12: memref<80xi32, #tpu.memory_space<vmem>>, %arg13: memref<80xi32, #tpu.memory_space<vmem>>, %arg14: memref<80x128xf32, #tpu.memory_space<vmem>>, %arg15: memref<80x128xf32, #tpu.memory_space<vmem>>, %arg16: memref<80x128xf32, #tpu.memory_space<vmem>>, %arg17: memref<64x128xf32, #tpu.memory_space<vmem>>, %arg18: memref<640xi32, #tpu.memory_space<vmem>>, %arg19: memref<64xi32, #tpu.memory_space<vmem>>, %arg20: memref<10240x128xf32, #tpu.memory_space<vmem_shared>>, %arg21: memref<!tpu.dma_semaphore, #tpu.memory_space<semaphore_mem>>, %arg22: memref<!tpu.dma_semaphore, #tpu.memory_space<semaphore_mem>>) attributes {dimension_semantics = [#tpu.dimension_semantics<core_parallel>, #tpu.dimension_semantics<subcore_parallel>], iteration_bounds = array<i64: 2, 16>, scalar_prefetch = 0 : i64, scratch_operands = 13 : i64, tpu.core_type = #tpu.core_type<sc_vector_subcore>, window_params = [{transform_indices = #map}, {transform_indices = #map}, {transform_indices = #map1}, {transform_indices = #map1}, {transform_indices = #map1}, {transform_indices = #map}, {transform_indices = #map2}, {transform_indices = #map2}]} {
    %mul3A = arith.constant 640 : i32
    %mul3A_0 = arith.muli %arg1, %mul3A : i32
    "tpu.region"() ({
      %run_scoped3A = tpu.sem_alloc : memref<!tpu.dma_semaphore, #tpu.memory_space<semaphore_mem>>
      tpu.enqueue_dma source(%arg6 : memref<64x128xf32, #tpu.memory_space<hbm>>) target(%arg17 : memref<64x128xf32, #tpu.memory_space<vmem>>) target_semaphore(%run_scoped3A : memref<!tpu.dma_semaphore, #tpu.memory_space<semaphore_mem>>)
      tpu.wait_dma2 semaphore(%run_scoped3A : memref<!tpu.dma_semaphore, #tpu.memory_space<semaphore_mem>>) src(%arg6 : memref<64x128xf32, #tpu.memory_space<hbm>>) dst(%arg17 : memref<64x128xf32, #tpu.memory_space<vmem>>)
      tpu.yield
    }) : () -> ()
    "tpu.region"() ({
      %run_scoped3A = tpu.sem_alloc : memref<!tpu.dma_semaphore, #tpu.memory_space<semaphore_mem>>
      tpu.enqueue_dma source(%arg5 : memref<80x128xf32, #tpu.memory_space<hbm>>) target(%arg16 : memref<80x128xf32, #tpu.memory_space<vmem>>) target_semaphore(%run_scoped3A : memref<!tpu.dma_semaphore, #tpu.memory_space<semaphore_mem>>)
      tpu.wait_dma2 semaphore(%run_scoped3A : memref<!tpu.dma_semaphore, #tpu.memory_space<semaphore_mem>>) src(%arg5 : memref<80x128xf32, #tpu.memory_space<hbm>>) dst(%arg16 : memref<80x128xf32, #tpu.memory_space<vmem>>)
      tpu.yield
    }) : () -> ()
    "tpu.region"() ({
      %run_scoped3A = tpu.sem_alloc : memref<!tpu.dma_semaphore, #tpu.memory_space<semaphore_mem>>
      %dma_start3A_131 = tpu.memref_slice %arg7[%mul3A_0] : memref<10240xi32, #tpu.memory_space<hbm>> -> memref<640xi32, #tpu.memory_space<hbm>>
      %dma_start3A_132 = tpu.memref_slice %arg7[%mul3A_0] : memref<10240xi32, #tpu.memory_space<hbm>> -> memref<640xi32, #tpu.memory_space<hbm>>
      tpu.enqueue_dma source(%dma_start3A_132 : memref<640xi32, #tpu.memory_space<hbm>>) target(%arg18 : memref<640xi32, #tpu.memory_space<vmem>>) target_semaphore(%run_scoped3A : memref<!tpu.dma_semaphore, #tpu.memory_space<semaphore_mem>>)
      %dma_wait3A_133 = tpu.memref_slice %arg7[%mul3A_0] : memref<10240xi32, #tpu.memory_space<hbm>> -> memref<640xi32, #tpu.memory_space<hbm>>
      %dma_wait3A_134 = tpu.memref_slice %arg7[%mul3A_0] : memref<10240xi32, #tpu.memory_space<hbm>> -> memref<640xi32, #tpu.memory_space<hbm>>
      tpu.wait_dma2 semaphore(%run_scoped3A : memref<!tpu.dma_semaphore, #tpu.memory_space<semaphore_mem>>) src(%dma_wait3A_134 : memref<640xi32, #tpu.memory_space<hbm>>) dst(%arg18 : memref<640xi32, #tpu.memory_space<vmem>>)
      tpu.yield
    }) : () -> ()
    %scan3A = arith.constant 0 : i32
    %scan3A_1 = arith.constant 0 : i32
    %scan3A_2 = arith.constant 10 : i32
    %scan3A_3 = arith.addi %scan3A_1, %scan3A_2 : i32
    %scan3A_4 = arith.constant 1 : i32
    scf.for %scan3A_131 = %scan3A_1 to %scan3A_3 step %scan3A_4  : i32 {
      %mul3A_132 = arith.constant 64 : i32
      %mul3A_133 = arith.muli %scan3A_131, %mul3A_132 : i32
      %add3A_134 = arith.addi %mul3A_0, %mul3A_133 : i32
      "tpu.region"() ({
        %run_scoped3A = tpu.sem_alloc : memref<!tpu.dma_semaphore, #tpu.memory_space<semaphore_mem>>
        %dma_start3A_135 = tpu.memref_slice %arg7[%add3A_134] : memref<10240xi32, #tpu.memory_space<hbm>> -> memref<64xi32, #tpu.memory_space<hbm>>
        %dma_start3A_136 = tpu.memref_slice %arg7[%add3A_134] : memref<10240xi32, #tpu.memory_space<hbm>> -> memref<64xi32, #tpu.memory_space<hbm>>
        tpu.enqueue_dma source(%dma_start3A_136 : memref<64xi32, #tpu.memory_space<hbm>>) target(%arg19 : memref<64xi32, #tpu.memory_space<vmem>>) target_semaphore(%run_scoped3A : memref<!tpu.dma_semaphore, #tpu.memory_space<semaphore_mem>>)
        %dma_wait3A_137 = tpu.memref_slice %arg7[%add3A_134] : memref<10240xi32, #tpu.memory_space<hbm>> -> memref<64xi32, #tpu.memory_space<hbm>>
        %dma_wait3A_138 = tpu.memref_slice %arg7[%add3A_134] : memref<10240xi32, #tpu.memory_space<hbm>> -> memref<64xi32, #tpu.memory_space<hbm>>
        tpu.wait_dma2 semaphore(%run_scoped3A : memref<!tpu.dma_semaphore, #tpu.memory_space<semaphore_mem>>) src(%dma_wait3A_138 : memref<64xi32, #tpu.memory_space<hbm>>) dst(%arg19 : memref<64xi32, #tpu.memory_space<vmem>>)
        tpu.yield
      }) : () -> ()
      "tpu.region"() ({
        %run_scoped3A = tpu.sem_alloc : memref<!tpu.dma_semaphore, #tpu.memory_space<semaphore_mem>>
        %dma_start3A_135 = arith.constant 0 : i32
        %dma_start3A_136 = arith.constant 0 : i32
        %dma_start3A_137 = tpu.memref_slice %arg20[%dma_start3A_135, %dma_start3A_136] : memref<10240x128xf32, #tpu.memory_space<vmem_shared>> -> memref<10240x128xf32, #tpu.memory_space<vmem_shared>>
        tpu.enqueue_indirect_dma source(%arg17 : memref<64x128xf32, #tpu.memory_space<vmem>>) target(%dma_start3A_137 : memref<10240x128xf32, #tpu.memory_space<vmem_shared>>) offsets(%arg19 : memref<64xi32, #tpu.memory_space<vmem>>) semaphore(%run_scoped3A : memref<!tpu.dma_semaphore, #tpu.memory_space<semaphore_mem>>)
        %dma_wait3A_138 = arith.constant 0 : i32
        %dma_wait3A_139 = arith.constant 0 : i32
        %dma_wait3A_140 = tpu.memref_slice %arg20[%dma_wait3A_138, %dma_wait3A_139] : memref<10240x128xf32, #tpu.memory_space<vmem_shared>> -> memref<10240x128xf32, #tpu.memory_space<vmem_shared>>
        tpu.wait_indirect_dma semaphore(%run_scoped3A : memref<!tpu.dma_semaphore, #tpu.memory_space<semaphore_mem>>) src(%arg17 : memref<64x128xf32, #tpu.memory_space<vmem>>) dst(%dma_wait3A_140 : memref<10240x128xf32, #tpu.memory_space<vmem_shared>>)
        tpu.yield
      }) : () -> ()
    }
    %scan3A_5 = arith.constant 10 : i32
    %barrier3A = arith.constant 0 : index
    tpu.barrier barrier_id(%barrier3A)
    %mul3A_6 = arith.constant 2000 : i32
    %mul3A_7 = arith.muli %arg0, %mul3A_6 : i32
    %add3A = arith.addi %mul3A_7, %arg1 : i32
    %min3A = arith.constant 0 : i32
    %min3A_8 = arith.constant 124 : i32
    %min3A_9 = arith.minsi %min3A, %min3A_8 : i32
    %mul3A_10 = arith.constant 16 : i32
    %mul3A_11 = arith.muli %min3A_9, %mul3A_10 : i32
    %add3A_12 = arith.addi %add3A, %mul3A_11 : i32
    %mul3A_13 = arith.constant 80 : i32
    %mul3A_14 = arith.muli %add3A_12, %mul3A_13 : i32
    "tpu.region"() ({
      %run_scoped3A = tpu.sem_alloc : memref<!tpu.dma_semaphore, #tpu.memory_space<semaphore_mem>>
      %dma_start3A_131 = tpu.memref_slice %arg3[%mul3A_14] : memref<320000xi32, #tpu.memory_space<hbm>> -> memref<80xi32, #tpu.memory_space<hbm>>
      %dma_start3A_132 = tpu.memref_slice %arg3[%mul3A_14] : memref<320000xi32, #tpu.memory_space<hbm>> -> memref<80xi32, #tpu.memory_space<hbm>>
      tpu.enqueue_dma source(%dma_start3A_132 : memref<80xi32, #tpu.memory_space<hbm>>) target(%arg11 : memref<80xi32, #tpu.memory_space<vmem>>) target_semaphore(%run_scoped3A : memref<!tpu.dma_semaphore, #tpu.memory_space<semaphore_mem>>)
      %dma_wait3A_133 = tpu.memref_slice %arg3[%mul3A_14] : memref<320000xi32, #tpu.memory_space<hbm>> -> memref<80xi32, #tpu.memory_space<hbm>>
      %dma_wait3A_134 = tpu.memref_slice %arg3[%mul3A_14] : memref<320000xi32, #tpu.memory_space<hbm>> -> memref<80xi32, #tpu.memory_space<hbm>>
      tpu.wait_dma2 semaphore(%run_scoped3A : memref<!tpu.dma_semaphore, #tpu.memory_space<semaphore_mem>>) src(%dma_wait3A_134 : memref<80xi32, #tpu.memory_space<hbm>>) dst(%arg11 : memref<80xi32, #tpu.memory_space<vmem>>)
      tpu.yield
    }) : () -> ()
    %min3A_15 = arith.constant 0 : i32
    %min3A_16 = arith.constant 124 : i32
    %min3A_17 = arith.minsi %min3A_15, %min3A_16 : i32
    %mul3A_18 = arith.constant 16 : i32
    %mul3A_19 = arith.muli %min3A_17, %mul3A_18 : i32
    %add3A_20 = arith.addi %add3A, %mul3A_19 : i32
    %mul3A_21 = arith.constant 80 : i32
    %mul3A_22 = arith.muli %add3A_20, %mul3A_21 : i32
    "tpu.region"() ({
      %run_scoped3A = tpu.sem_alloc : memref<!tpu.dma_semaphore, #tpu.memory_space<semaphore_mem>>
      %dma_start3A_131 = tpu.memref_slice %arg2[%mul3A_22] : memref<320000xi32, #tpu.memory_space<hbm>> -> memref<80xi32, #tpu.memory_space<hbm>>
      %dma_start3A_132 = tpu.memref_slice %arg2[%mul3A_22] : memref<320000xi32, #tpu.memory_space<hbm>> -> memref<80xi32, #tpu.memory_space<hbm>>
      tpu.enqueue_dma source(%dma_start3A_132 : memref<80xi32, #tpu.memory_space<hbm>>) target(%arg10 : memref<80xi32, #tpu.memory_space<vmem>>) target_semaphore(%run_scoped3A : memref<!tpu.dma_semaphore, #tpu.memory_space<semaphore_mem>>)
      %dma_wait3A_133 = tpu.memref_slice %arg2[%mul3A_22] : memref<320000xi32, #tpu.memory_space<hbm>> -> memref<80xi32, #tpu.memory_space<hbm>>
      %dma_wait3A_134 = tpu.memref_slice %arg2[%mul3A_22] : memref<320000xi32, #tpu.memory_space<hbm>> -> memref<80xi32, #tpu.memory_space<hbm>>
      tpu.wait_dma2 semaphore(%run_scoped3A : memref<!tpu.dma_semaphore, #tpu.memory_space<semaphore_mem>>) src(%dma_wait3A_134 : memref<80xi32, #tpu.memory_space<hbm>>) dst(%arg10 : memref<80xi32, #tpu.memory_space<vmem>>)
      tpu.yield
    }) : () -> ()
    %dma_start3A = arith.constant 0 : i32
    %dma_start3A_23 = arith.constant 0 : i32
    %dma_start3A_24 = tpu.memref_slice %arg4[%dma_start3A, %dma_start3A_23] : memref<10000x128xf32, #tpu.memory_space<hbm>> -> memref<10000x128xf32, #tpu.memory_space<hbm>>
    tpu.enqueue_indirect_dma source(%dma_start3A_24 : memref<10000x128xf32, #tpu.memory_space<hbm>>) target(%arg14 : memref<80x128xf32, #tpu.memory_space<vmem>>) offsets(%arg10 : memref<80xi32, #tpu.memory_space<vmem>>) semaphore(%arg21 : memref<!tpu.dma_semaphore, #tpu.memory_space<semaphore_mem>>)
    %min3A_25 = arith.constant 1 : i32
    %min3A_26 = arith.constant 124 : i32
    %min3A_27 = arith.minsi %min3A_25, %min3A_26 : i32
    %mul3A_28 = arith.constant 16 : i32
    %mul3A_29 = arith.muli %min3A_27, %mul3A_28 : i32
    %add3A_30 = arith.addi %add3A, %mul3A_29 : i32
    %mul3A_31 = arith.constant 80 : i32
    %mul3A_32 = arith.muli %add3A_30, %mul3A_31 : i32
    "tpu.region"() ({
      %run_scoped3A = tpu.sem_alloc : memref<!tpu.dma_semaphore, #tpu.memory_space<semaphore_mem>>
      %dma_start3A_131 = tpu.memref_slice %arg3[%mul3A_32] : memref<320000xi32, #tpu.memory_space<hbm>> -> memref<80xi32, #tpu.memory_space<hbm>>
      %dma_start3A_132 = tpu.memref_slice %arg3[%mul3A_32] : memref<320000xi32, #tpu.memory_space<hbm>> -> memref<80xi32, #tpu.memory_space<hbm>>
      tpu.enqueue_dma source(%dma_start3A_132 : memref<80xi32, #tpu.memory_space<hbm>>) target(%arg13 : memref<80xi32, #tpu.memory_space<vmem>>) target_semaphore(%run_scoped3A : memref<!tpu.dma_semaphore, #tpu.memory_space<semaphore_mem>>)
      %dma_wait3A_133 = tpu.memref_slice %arg3[%mul3A_32] : memref<320000xi32, #tpu.memory_space<hbm>> -> memref<80xi32, #tpu.memory_space<hbm>>
      %dma_wait3A_134 = tpu.memref_slice %arg3[%mul3A_32] : memref<320000xi32, #tpu.memory_space<hbm>> -> memref<80xi32, #tpu.memory_space<hbm>>
      tpu.wait_dma2 semaphore(%run_scoped3A : memref<!tpu.dma_semaphore, #tpu.memory_space<semaphore_mem>>) src(%dma_wait3A_134 : memref<80xi32, #tpu.memory_space<hbm>>) dst(%arg13 : memref<80xi32, #tpu.memory_space<vmem>>)
      tpu.yield
    }) : () -> ()
    %min3A_33 = arith.constant 1 : i32
    %min3A_34 = arith.constant 124 : i32
    %min3A_35 = arith.minsi %min3A_33, %min3A_34 : i32
    %mul3A_36 = arith.constant 16 : i32
    %mul3A_37 = arith.muli %min3A_35, %mul3A_36 : i32
    %add3A_38 = arith.addi %add3A, %mul3A_37 : i32
    %mul3A_39 = arith.constant 80 : i32
    %mul3A_40 = arith.muli %add3A_38, %mul3A_39 : i32
    "tpu.region"() ({
      %run_scoped3A = tpu.sem_alloc : memref<!tpu.dma_semaphore, #tpu.memory_space<semaphore_mem>>
      %dma_start3A_131 = tpu.memref_slice %arg2[%mul3A_40] : memref<320000xi32, #tpu.memory_space<hbm>> -> memref<80xi32, #tpu.memory_space<hbm>>
      %dma_start3A_132 = tpu.memref_slice %arg2[%mul3A_40] : memref<320000xi32, #tpu.memory_space<hbm>> -> memref<80xi32, #tpu.memory_space<hbm>>
      tpu.enqueue_dma source(%dma_start3A_132 : memref<80xi32, #tpu.memory_space<hbm>>) target(%arg12 : memref<80xi32, #tpu.memory_space<vmem>>) target_semaphore(%run_scoped3A : memref<!tpu.dma_semaphore, #tpu.memory_space<semaphore_mem>>)
      %dma_wait3A_133 = tpu.memref_slice %arg2[%mul3A_40] : memref<320000xi32, #tpu.memory_space<hbm>> -> memref<80xi32, #tpu.memory_space<hbm>>
      %dma_wait3A_134 = tpu.memref_slice %arg2[%mul3A_40] : memref<320000xi32, #tpu.memory_space<hbm>> -> memref<80xi32, #tpu.memory_space<hbm>>
      tpu.wait_dma2 semaphore(%run_scoped3A : memref<!tpu.dma_semaphore, #tpu.memory_space<semaphore_mem>>) src(%dma_wait3A_134 : memref<80xi32, #tpu.memory_space<hbm>>) dst(%arg12 : memref<80xi32, #tpu.memory_space<vmem>>)
      tpu.yield
    }) : () -> ()
    %dma_start3A_41 = arith.constant 0 : i32
    %dma_start3A_42 = arith.constant 0 : i32
    %dma_start3A_43 = tpu.memref_slice %arg4[%dma_start3A_41, %dma_start3A_42] : memref<10000x128xf32, #tpu.memory_space<hbm>> -> memref<10000x128xf32, #tpu.memory_space<hbm>>
    tpu.enqueue_indirect_dma source(%dma_start3A_43 : memref<10000x128xf32, #tpu.memory_space<hbm>>) target(%arg15 : memref<80x128xf32, #tpu.memory_space<vmem>>) offsets(%arg12 : memref<80xi32, #tpu.memory_space<vmem>>) semaphore(%arg22 : memref<!tpu.dma_semaphore, #tpu.memory_space<semaphore_mem>>)
    %scan3A_44 = arith.constant 0 : i32
    %scan3A_45 = arith.constant 0 : i32
    %scan3A_46 = arith.constant 62 : i32
    %scan3A_47 = arith.addi %scan3A_45, %scan3A_46 : i32
    %scan3A_48 = arith.constant 1 : i32
    scf.for %scan3A_131 = %scan3A_45 to %scan3A_47 step %scan3A_48  : i32 {
      %mul3A_132 = arith.constant 2 : i32
      %mul3A_133 = arith.muli %mul3A_132, %scan3A_131 : i32
      %dma_wait3A_134 = arith.constant 0 : i32
      %dma_wait3A_135 = arith.constant 0 : i32
      %dma_wait3A_136 = tpu.memref_slice %arg4[%dma_wait3A_134, %dma_wait3A_135] : memref<10000x128xf32, #tpu.memory_space<hbm>> -> memref<80x128xf32, #tpu.memory_space<hbm>>
      %dma_wait3A_137 = arith.constant 0 : i32
      %dma_wait3A_138 = arith.constant 0 : i32
      %dma_wait3A_139 = tpu.memref_slice %arg4[%dma_wait3A_137, %dma_wait3A_138] : memref<10000x128xf32, #tpu.memory_space<hbm>> -> memref<80x128xf32, #tpu.memory_space<hbm>>
      tpu.wait_dma2 semaphore(%arg21 : memref<!tpu.dma_semaphore, #tpu.memory_space<semaphore_mem>>) src(%dma_wait3A_139 : memref<80x128xf32, #tpu.memory_space<hbm>>) dst(%arg14 : memref<80x128xf32, #tpu.memory_space<vmem>>)
      "tpu.region"() ({
        %run_scoped3A = tpu.sem_alloc : memref<!tpu.dma_semaphore, #tpu.memory_space<semaphore_mem>>
        %dma_start3A_188 = arith.constant 0 : i32
        %dma_start3A_189 = arith.constant 0 : i32
        %dma_start3A_190 = tpu.memref_slice %arg20[%dma_start3A_188, %dma_start3A_189] : memref<10240x128xf32, #tpu.memory_space<vmem_shared>> -> memref<10240x128xf32, #tpu.memory_space<vmem_shared>>
        tpu.enqueue_indirect_dma source(%arg14 : memref<80x128xf32, #tpu.memory_space<vmem>>) target(%dma_start3A_190 : memref<10240x128xf32, #tpu.memory_space<vmem_shared>>) offsets(%arg11 : memref<80xi32, #tpu.memory_space<vmem>>) semaphore(%run_scoped3A : memref<!tpu.dma_semaphore, #tpu.memory_space<semaphore_mem>>) {add = true}
        %dma_wait3A_191 = arith.constant 0 : i32
        %dma_wait3A_192 = arith.constant 0 : i32
        %dma_wait3A_193 = tpu.memref_slice %arg20[%dma_wait3A_191, %dma_wait3A_192] : memref<10240x128xf32, #tpu.memory_space<vmem_shared>> -> memref<10240x128xf32, #tpu.memory_space<vmem_shared>>
        tpu.wait_indirect_dma semaphore(%run_scoped3A : memref<!tpu.dma_semaphore, #tpu.memory_space<semaphore_mem>>) src(%arg14 : memref<80x128xf32, #tpu.memory_space<vmem>>) dst(%dma_wait3A_193 : memref<10240x128xf32, #tpu.memory_space<vmem_shared>>)
        tpu.yield
      }) : () -> ()
      %add3A_140 = arith.constant 2 : i32
      %add3A_141 = arith.addi %mul3A_133, %add3A_140 : i32
      %min3A_142 = arith.constant 124 : i32
      %min3A_143 = arith.minsi %add3A_141, %min3A_142 : i32
      %mul3A_144 = arith.constant 16 : i32
      %mul3A_145 = arith.muli %min3A_143, %mul3A_144 : i32
      %add3A_146 = arith.addi %add3A, %mul3A_145 : i32
      %mul3A_147 = arith.constant 80 : i32
      %mul3A_148 = arith.muli %add3A_146, %mul3A_147 : i32
      "tpu.region"() ({
        %run_scoped3A = tpu.sem_alloc : memref<!tpu.dma_semaphore, #tpu.memory_space<semaphore_mem>>
        %dma_start3A_188 = tpu.memref_slice %arg3[%mul3A_148] : memref<320000xi32, #tpu.memory_space<hbm>> -> memref<80xi32, #tpu.memory_space<hbm>>
        %dma_start3A_189 = tpu.memref_slice %arg3[%mul3A_148] : memref<320000xi32, #tpu.memory_space<hbm>> -> memref<80xi32, #tpu.memory_space<hbm>>
        tpu.enqueue_dma source(%dma_start3A_189 : memref<80xi32, #tpu.memory_space<hbm>>) target(%arg11 : memref<80xi32, #tpu.memory_space<vmem>>) target_semaphore(%run_scoped3A : memref<!tpu.dma_semaphore, #tpu.memory_space<semaphore_mem>>)
        %dma_wait3A_190 = tpu.memref_slice %arg3[%mul3A_148] : memref<320000xi32, #tpu.memory_space<hbm>> -> memref<80xi32, #tpu.memory_space<hbm>>
        %dma_wait3A_191 = tpu.memref_slice %arg3[%mul3A_148] : memref<320000xi32, #tpu.memory_space<hbm>> -> memref<80xi32, #tpu.memory_space<hbm>>
        tpu.wait_dma2 semaphore(%run_scoped3A : memref<!tpu.dma_semaphore, #tpu.memory_space<semaphore_mem>>) src(%dma_wait3A_191 : memref<80xi32, #tpu.memory_space<hbm>>) dst(%arg11 : memref<80xi32, #tpu.memory_space<vmem>>)
        tpu.yield
      }) : () -> ()
      %add3A_149 = arith.constant 2 : i32
      %add3A_150 = arith.addi %mul3A_133, %add3A_149 : i32
      %min3A_151 = arith.constant 124 : i32
      %min3A_152 = arith.minsi %add3A_150, %min3A_151 : i32
      %mul3A_153 = arith.constant 16 : i32
      %mul3A_154 = arith.muli %min3A_152, %mul3A_153 : i32
      %add3A_155 = arith.addi %add3A, %mul3A_154 : i32
      %mul3A_156 = arith.constant 80 : i32
      %mul3A_157 = arith.muli %add3A_155, %mul3A_156 : i32
      "tpu.region"() ({
        %run_scoped3A = tpu.sem_alloc : memref<!tpu.dma_semaphore, #tpu.memory_space<semaphore_mem>>
        %dma_start3A_188 = tpu.memref_slice %arg2[%mul3A_157] : memref<320000xi32, #tpu.memory_space<hbm>> -> memref<80xi32, #tpu.memory_space<hbm>>
        %dma_start3A_189 = tpu.memref_slice %arg2[%mul3A_157] : memref<320000xi32, #tpu.memory_space<hbm>> -> memref<80xi32, #tpu.memory_space<hbm>>
        tpu.enqueue_dma source(%dma_start3A_189 : memref<80xi32, #tpu.memory_space<hbm>>) target(%arg10 : memref<80xi32, #tpu.memory_space<vmem>>) target_semaphore(%run_scoped3A : memref<!tpu.dma_semaphore, #tpu.memory_space<semaphore_mem>>)
        %dma_wait3A_190 = tpu.memref_slice %arg2[%mul3A_157] : memref<320000xi32, #tpu.memory_space<hbm>> -> memref<80xi32, #tpu.memory_space<hbm>>
        %dma_wait3A_191 = tpu.memref_slice %arg2[%mul3A_157] : memref<320000xi32, #tpu.memory_space<hbm>> -> memref<80xi32, #tpu.memory_space<hbm>>
        tpu.wait_dma2 semaphore(%run_scoped3A : memref<!tpu.dma_semaphore, #tpu.memory_space<semaphore_mem>>) src(%dma_wait3A_191 : memref<80xi32, #tpu.memory_space<hbm>>) dst(%arg10 : memref<80xi32, #tpu.memory_space<vmem>>)
        tpu.yield
      }) : () -> ()
      %dma_start3A_158 = arith.constant 0 : i32
      %dma_start3A_159 = arith.constant 0 : i32
      %dma_start3A_160 = tpu.memref_slice %arg4[%dma_start3A_158, %dma_start3A_159] : memref<10000x128xf32, #tpu.memory_space<hbm>> -> memref<10000x128xf32, #tpu.memory_space<hbm>>
      tpu.enqueue_indirect_dma source(%dma_start3A_160 : memref<10000x128xf32, #tpu.memory_space<hbm>>) target(%arg14 : memref<80x128xf32, #tpu.memory_space<vmem>>) offsets(%arg10 : memref<80xi32, #tpu.memory_space<vmem>>) semaphore(%arg21 : memref<!tpu.dma_semaphore, #tpu.memory_space<semaphore_mem>>)
      %dma_wait3A_161 = arith.constant 0 : i32
      %dma_wait3A_162 = arith.constant 0 : i32
      %dma_wait3A_163 = tpu.memref_slice %arg4[%dma_wait3A_161, %dma_wait3A_162] : memref<10000x128xf32, #tpu.memory_space<hbm>> -> memref<80x128xf32, #tpu.memory_space<hbm>>
      %dma_wait3A_164 = arith.constant 0 : i32
      %dma_wait3A_165 = arith.constant 0 : i32
      %dma_wait3A_166 = tpu.memref_slice %arg4[%dma_wait3A_164, %dma_wait3A_165] : memref<10000x128xf32, #tpu.memory_space<hbm>> -> memref<80x128xf32, #tpu.memory_space<hbm>>
      tpu.wait_dma2 semaphore(%arg22 : memref<!tpu.dma_semaphore, #tpu.memory_space<semaphore_mem>>) src(%dma_wait3A_166 : memref<80x128xf32, #tpu.memory_space<hbm>>) dst(%arg15 : memref<80x128xf32, #tpu.memory_space<vmem>>)
      "tpu.region"() ({
        %run_scoped3A = tpu.sem_alloc : memref<!tpu.dma_semaphore, #tpu.memory_space<semaphore_mem>>
        %dma_start3A_188 = arith.constant 0 : i32
        %dma_start3A_189 = arith.constant 0 : i32
        %dma_start3A_190 = tpu.memref_slice %arg20[%dma_start3A_188, %dma_start3A_189] : memref<10240x128xf32, #tpu.memory_space<vmem_shared>> -> memref<10240x128xf32, #tpu.memory_space<vmem_shared>>
        tpu.enqueue_indirect_dma source(%arg15 : memref<80x128xf32, #tpu.memory_space<vmem>>) target(%dma_start3A_190 : memref<10240x128xf32, #tpu.memory_space<vmem_shared>>) offsets(%arg13 : memref<80xi32, #tpu.memory_space<vmem>>) semaphore(%run_scoped3A : memref<!tpu.dma_semaphore, #tpu.memory_space<semaphore_mem>>) {add = true}
        %dma_wait3A_191 = arith.constant 0 : i32
        %dma_wait3A_192 = arith.constant 0 : i32
        %dma_wait3A_193 = tpu.memref_slice %arg20[%dma_wait3A_191, %dma_wait3A_192] : memref<10240x128xf32, #tpu.memory_space<vmem_shared>> -> memref<10240x128xf32, #tpu.memory_space<vmem_shared>>
        tpu.wait_indirect_dma semaphore(%run_scoped3A : memref<!tpu.dma_semaphore, #tpu.memory_space<semaphore_mem>>) src(%arg15 : memref<80x128xf32, #tpu.memory_space<vmem>>) dst(%dma_wait3A_193 : memref<10240x128xf32, #tpu.memory_space<vmem_shared>>)
        tpu.yield
      }) : () -> ()
      %add3A_167 = arith.constant 3 : i32
      %add3A_168 = arith.addi %mul3A_133, %add3A_167 : i32
      %min3A_169 = arith.constant 124 : i32
      %min3A_170 = arith.minsi %add3A_168, %min3A_169 : i32
      %mul3A_171 = arith.constant 16 : i32
      %mul3A_172 = arith.muli %min3A_170, %mul3A_171 : i32
      %add3A_173 = arith.addi %add3A, %mul3A_172 : i32
      %mul3A_174 = arith.constant 80 : i32
      %mul3A_175 = arith.muli %add3A_173, %mul3A_174 : i32
      "tpu.region"() ({
        %run_scoped3A = tpu.sem_alloc : memref<!tpu.dma_semaphore, #tpu.memory_space<semaphore_mem>>
        %dma_start3A_188 = tpu.memref_slice %arg3[%mul3A_175] : memref<320000xi32, #tpu.memory_space<hbm>> -> memref<80xi32, #tpu.memory_space<hbm>>
        %dma_start3A_189 = tpu.memref_slice %arg3[%mul3A_175] : memref<320000xi32, #tpu.memory_space<hbm>> -> memref<80xi32, #tpu.memory_space<hbm>>
        tpu.enqueue_dma source(%dma_start3A_189 : memref<80xi32, #tpu.memory_space<hbm>>) target(%arg13 : memref<80xi32, #tpu.memory_space<vmem>>) target_semaphore(%run_scoped3A : memref<!tpu.dma_semaphore, #tpu.memory_space<semaphore_mem>>)
        %dma_wait3A_190 = tpu.memref_slice %arg3[%mul3A_175] : memref<320000xi32, #tpu.memory_space<hbm>> -> memref<80xi32, #tpu.memory_space<hbm>>
        %dma_wait3A_191 = tpu.memref_slice %arg3[%mul3A_175] : memref<320000xi32, #tpu.memory_space<hbm>> -> memref<80xi32, #tpu.memory_space<hbm>>
        tpu.wait_dma2 semaphore(%run_scoped3A : memref<!tpu.dma_semaphore, #tpu.memory_space<semaphore_mem>>) src(%dma_wait3A_191 : memref<80xi32, #tpu.memory_space<hbm>>) dst(%arg13 : memref<80xi32, #tpu.memory_space<vmem>>)
        tpu.yield
      }) : () -> ()
      %add3A_176 = arith.constant 3 : i32
      %add3A_177 = arith.addi %mul3A_133, %add3A_176 : i32
      %min3A_178 = arith.constant 124 : i32
      %min3A_179 = arith.minsi %add3A_177, %min3A_178 : i32
      %mul3A_180 = arith.constant 16 : i32
      %mul3A_181 = arith.muli %min3A_179, %mul3A_180 : i32
      %add3A_182 = arith.addi %add3A, %mul3A_181 : i32
      %mul3A_183 = arith.constant 80 : i32
      %mul3A_184 = arith.muli %add3A_182, %mul3A_183 : i32
      "tpu.region"() ({
        %run_scoped3A = tpu.sem_alloc : memref<!tpu.dma_semaphore, #tpu.memory_space<semaphore_mem>>
        %dma_start3A_188 = tpu.memref_slice %arg2[%mul3A_184] : memref<320000xi32, #tpu.memory_space<hbm>> -> memref<80xi32, #tpu.memory_space<hbm>>
        %dma_start3A_189 = tpu.memref_slice %arg2[%mul3A_184] : memref<320000xi32, #tpu.memory_space<hbm>> -> memref<80xi32, #tpu.memory_space<hbm>>
        tpu.enqueue_dma source(%dma_start3A_189 : memref<80xi32, #tpu.memory_space<hbm>>) target(%arg12 : memref<80xi32, #tpu.memory_space<vmem>>) target_semaphore(%run_scoped3A : memref<!tpu.dma_semaphore, #tpu.memory_space<semaphore_mem>>)
        %dma_wait3A_190 = tpu.memref_slice %arg2[%mul3A_184] : memref<320000xi32, #tpu.memory_space<hbm>> -> memref<80xi32, #tpu.memory_space<hbm>>
        %dma_wait3A_191 = tpu.memref_slice %arg2[%mul3A_184] : memref<320000xi32, #tpu.memory_space<hbm>> -> memref<80xi32, #tpu.memory_space<hbm>>
        tpu.wait_dma2 semaphore(%run_scoped3A : memref<!tpu.dma_semaphore, #tpu.memory_space<semaphore_mem>>) src(%dma_wait3A_191 : memref<80xi32, #tpu.memory_space<hbm>>) dst(%arg12 : memref<80xi32, #tpu.memory_space<vmem>>)
        tpu.yield
      }) : () -> ()
      %dma_start3A_185 = arith.constant 0 : i32
      %dma_start3A_186 = arith.constant 0 : i32
      %dma_start3A_187 = tpu.memref_slice %arg4[%dma_start3A_185, %dma_start3A_186] : memref<10000x128xf32, #tpu.memory_space<hbm>> -> memref<10000x128xf32, #tpu.memory_space<hbm>>
      tpu.enqueue_indirect_dma source(%dma_start3A_187 : memref<10000x128xf32, #tpu.memory_space<hbm>>) target(%arg15 : memref<80x128xf32, #tpu.memory_space<vmem>>) offsets(%arg12 : memref<80xi32, #tpu.memory_space<vmem>>) semaphore(%arg22 : memref<!tpu.dma_semaphore, #tpu.memory_space<semaphore_mem>>)
    }
    %scan3A_49 = arith.constant 62 : i32
    %dma_wait3A = arith.constant 0 : i32
    %dma_wait3A_50 = arith.constant 0 : i32
    %dma_wait3A_51 = tpu.memref_slice %arg4[%dma_wait3A, %dma_wait3A_50] : memref<10000x128xf32, #tpu.memory_space<hbm>> -> memref<80x128xf32, #tpu.memory_space<hbm>>
    %dma_wait3A_52 = arith.constant 0 : i32
    %dma_wait3A_53 = arith.constant 0 : i32
    %dma_wait3A_54 = tpu.memref_slice %arg4[%dma_wait3A_52, %dma_wait3A_53] : memref<10000x128xf32, #tpu.memory_space<hbm>> -> memref<80x128xf32, #tpu.memory_space<hbm>>
    tpu.wait_dma2 semaphore(%arg21 : memref<!tpu.dma_semaphore, #tpu.memory_space<semaphore_mem>>) src(%dma_wait3A_54 : memref<80x128xf32, #tpu.memory_space<hbm>>) dst(%arg14 : memref<80x128xf32, #tpu.memory_space<vmem>>)
    "tpu.region"() ({
      %run_scoped3A = tpu.sem_alloc : memref<!tpu.dma_semaphore, #tpu.memory_space<semaphore_mem>>
      %dma_start3A_131 = arith.constant 0 : i32
      %dma_start3A_132 = arith.constant 0 : i32
      %dma_start3A_133 = tpu.memref_slice %arg20[%dma_start3A_131, %dma_start3A_132] : memref<10240x128xf32, #tpu.memory_space<vmem_shared>> -> memref<10240x128xf32, #tpu.memory_space<vmem_shared>>
      tpu.enqueue_indirect_dma source(%arg14 : memref<80x128xf32, #tpu.memory_space<vmem>>) target(%dma_start3A_133 : memref<10240x128xf32, #tpu.memory_space<vmem_shared>>) offsets(%arg11 : memref<80xi32, #tpu.memory_space<vmem>>) semaphore(%run_scoped3A : memref<!tpu.dma_semaphore, #tpu.memory_space<semaphore_mem>>) {add = true}
      %dma_wait3A_134 = arith.constant 0 : i32
      %dma_wait3A_135 = arith.constant 0 : i32
      %dma_wait3A_136 = tpu.memref_slice %arg20[%dma_wait3A_134, %dma_wait3A_135] : memref<10240x128xf32, #tpu.memory_space<vmem_shared>> -> memref<10240x128xf32, #tpu.memory_space<vmem_shared>>
      tpu.wait_indirect_dma semaphore(%run_scoped3A : memref<!tpu.dma_semaphore, #tpu.memory_space<semaphore_mem>>) src(%arg14 : memref<80x128xf32, #tpu.memory_space<vmem>>) dst(%dma_wait3A_136 : memref<10240x128xf32, #tpu.memory_space<vmem_shared>>)
      tpu.yield
    }) : () -> ()
    %dma_wait3A_55 = arith.constant 0 : i32
    %dma_wait3A_56 = arith.constant 0 : i32
    %dma_wait3A_57 = tpu.memref_slice %arg4[%dma_wait3A_55, %dma_wait3A_56] : memref<10000x128xf32, #tpu.memory_space<hbm>> -> memref<80x128xf32, #tpu.memory_space<hbm>>
    %dma_wait3A_58 = arith.constant 0 : i32
    %dma_wait3A_59 = arith.constant 0 : i32
    %dma_wait3A_60 = tpu.memref_slice %arg4[%dma_wait3A_58, %dma_wait3A_59] : memref<10000x128xf32, #tpu.memory_space<hbm>> -> memref<80x128xf32, #tpu.memory_space<hbm>>
    tpu.wait_dma2 semaphore(%arg22 : memref<!tpu.dma_semaphore, #tpu.memory_space<semaphore_mem>>) src(%dma_wait3A_60 : memref<80x128xf32, #tpu.memory_space<hbm>>) dst(%arg15 : memref<80x128xf32, #tpu.memory_space<vmem>>)
    %barrier3A_61 = arith.constant 0 : index
    tpu.barrier barrier_id(%barrier3A_61)
    %scan3A_62 = arith.constant 0 : i32
    %scan3A_63 = arith.constant 0 : i32
    %scan3A_64 = arith.constant 10 : i32
    %scan3A_65 = arith.addi %scan3A_63, %scan3A_64 : i32
    %scan3A_66 = arith.constant 1 : i32
    scf.for %scan3A_131 = %scan3A_63 to %scan3A_65 step %scan3A_66  : i32 {
      %mul3A_132 = arith.constant 64 : i32
      %mul3A_133 = arith.muli %scan3A_131, %mul3A_132 : i32
      %add3A_134 = arith.addi %mul3A_0, %mul3A_133 : i32
      %mul3A_135 = arith.constant 64 : i32
      %mul3A_136 = arith.muli %scan3A_131, %mul3A_135 : i32
      %dma_start3A_137 = tpu.memref_slice %arg18[%mul3A_136] : memref<640xi32, #tpu.memory_space<vmem>> -> memref<64xi32, #tpu.memory_space<vmem>>
      %dma_start3A_138 = arith.constant 0 : i32
      %dma_start3A_139 = arith.constant 0 : i32
      %dma_start3A_140 = tpu.memref_slice %arg20[%dma_start3A_138, %dma_start3A_139] : memref<10240x128xf32, #tpu.memory_space<vmem_shared>> -> memref<10240x128xf32, #tpu.memory_space<vmem_shared>>
      tpu.enqueue_indirect_dma source(%dma_start3A_140 : memref<10240x128xf32, #tpu.memory_space<vmem_shared>>) target(%arg17 : memref<64x128xf32, #tpu.memory_space<vmem>>) offsets(%dma_start3A_137 : memref<64xi32, #tpu.memory_space<vmem>>) semaphore(%arg21 : memref<!tpu.dma_semaphore, #tpu.memory_space<semaphore_mem>>)
      %dma_wait3A_141 = tpu.memref_slice %arg18[%mul3A_136] : memref<640xi32, #tpu.memory_space<vmem>> -> memref<64xi32, #tpu.memory_space<vmem>>
      %dma_wait3A_142 = arith.constant 0 : i32
      %dma_wait3A_143 = arith.constant 0 : i32
      %dma_wait3A_144 = tpu.memref_slice %arg20[%dma_wait3A_142, %dma_wait3A_143] : memref<10240x128xf32, #tpu.memory_space<vmem_shared>> -> memref<10240x128xf32, #tpu.memory_space<vmem_shared>>
      tpu.wait_indirect_dma semaphore(%arg21 : memref<!tpu.dma_semaphore, #tpu.memory_space<semaphore_mem>>) src(%dma_wait3A_144 : memref<10240x128xf32, #tpu.memory_space<vmem_shared>>) dst(%arg17 : memref<64x128xf32, #tpu.memory_space<vmem>>)
      "tpu.region"() ({
        %run_scoped3A = tpu.sem_alloc : memref<!tpu.dma_semaphore, #tpu.memory_space<semaphore_mem>>
        %dma_start3A_145 = arith.constant 0 : i32
        %dma_start3A_146 = tpu.memref_slice %arg8[%arg0, %add3A_134, %dma_start3A_145] : memref<2x10240x128xf32, #tpu.memory_space<hbm>> -> memref<1x64x128xf32, #tpu.memory_space<hbm>>
        %dma_start3A_147 = tpu.memref_squeeze %dma_start3A_146 : memref<1x64x128xf32, #tpu.memory_space<hbm>> -> memref<64x128xf32, #tpu.memory_space<hbm>>
        %dma_start3A_148 = arith.constant 0 : i32
        %dma_start3A_149 = tpu.memref_slice %arg8[%arg0, %add3A_134, %dma_start3A_148] : memref<2x10240x128xf32, #tpu.memory_space<hbm>> -> memref<1x64x128xf32, #tpu.memory_space<hbm>>
        %dma_start3A_150 = tpu.memref_squeeze %dma_start3A_149 : memref<1x64x128xf32, #tpu.memory_space<hbm>> -> memref<64x128xf32, #tpu.memory_space<hbm>>
        tpu.enqueue_dma source(%arg17 : memref<64x128xf32, #tpu.memory_space<vmem>>) target(%dma_start3A_150 : memref<64x128xf32, #tpu.memory_space<hbm>>) target_semaphore(%run_scoped3A : memref<!tpu.dma_semaphore, #tpu.memory_space<semaphore_mem>>)
        %dma_wait3A_151 = arith.constant 0 : i32
        %dma_wait3A_152 = tpu.memref_slice %arg8[%arg0, %add3A_134, %dma_wait3A_151] : memref<2x10240x128xf32, #tpu.memory_space<hbm>> -> memref<1x64x128xf32, #tpu.memory_space<hbm>>
        %dma_wait3A_153 = tpu.memref_squeeze %dma_wait3A_152 : memref<1x64x128xf32, #tpu.memory_space<hbm>> -> memref<64x128xf32, #tpu.memory_space<hbm>>
        %dma_wait3A_154 = arith.constant 0 : i32
        %dma_wait3A_155 = tpu.memref_slice %arg8[%arg0, %add3A_134, %dma_wait3A_154] : memref<2x10240x128xf32, #tpu.memory_space<hbm>> -> memref<1x64x128xf32, #tpu.memory_space<hbm>>
        %dma_wait3A_156 = tpu.memref_squeeze %dma_wait3A_155 : memref<1x64x128xf32, #tpu.memory_space<hbm>> -> memref<64x128xf32, #tpu.memory_space<hbm>>
        tpu.wait_dma2 semaphore(%run_scoped3A : memref<!tpu.dma_semaphore, #tpu.memory_space<semaphore_mem>>) src(%arg17 : memref<64x128xf32, #tpu.memory_space<vmem>>) dst(%dma_wait3A_156 : memref<64x128xf32, #tpu.memory_space<hbm>>)
        tpu.yield
      }) : () -> ()
    }
    %scan3A_67 = arith.constant 10 : i32
    %barrier3A_68 = arith.constant 0 : index
    tpu.barrier barrier_id(%barrier3A_68)
    "tpu.region"() ({
      %run_scoped3A = tpu.sem_alloc : memref<!tpu.dma_semaphore, #tpu.memory_space<semaphore_mem>>
      tpu.enqueue_dma source(%arg6 : memref<64x128xf32, #tpu.memory_space<hbm>>) target(%arg17 : memref<64x128xf32, #tpu.memory_space<vmem>>) target_semaphore(%run_scoped3A : memref<!tpu.dma_semaphore, #tpu.memory_space<semaphore_mem>>)
      tpu.wait_dma2 semaphore(%run_scoped3A : memref<!tpu.dma_semaphore, #tpu.memory_space<semaphore_mem>>) src(%arg6 : memref<64x128xf32, #tpu.memory_space<hbm>>) dst(%arg17 : memref<64x128xf32, #tpu.memory_space<vmem>>)
      tpu.yield
    }) : () -> ()
    %scan3A_69 = arith.constant 0 : i32
    %scan3A_70 = arith.constant 0 : i32
    %scan3A_71 = arith.constant 10 : i32
    %scan3A_72 = arith.addi %scan3A_70, %scan3A_71 : i32
    %scan3A_73 = arith.constant 1 : i32
    scf.for %scan3A_131 = %scan3A_70 to %scan3A_72 step %scan3A_73  : i32 {
      %mul3A_132 = arith.constant 64 : i32
      %mul3A_133 = arith.muli %scan3A_131, %mul3A_132 : i32
      %add3A_134 = arith.addi %mul3A_0, %mul3A_133 : i32
      "tpu.region"() ({
        %run_scoped3A = tpu.sem_alloc : memref<!tpu.dma_semaphore, #tpu.memory_space<semaphore_mem>>
        %dma_start3A_135 = tpu.memref_slice %arg7[%add3A_134] : memref<10240xi32, #tpu.memory_space<hbm>> -> memref<64xi32, #tpu.memory_space<hbm>>
        %dma_start3A_136 = tpu.memref_slice %arg7[%add3A_134] : memref<10240xi32, #tpu.memory_space<hbm>> -> memref<64xi32, #tpu.memory_space<hbm>>
        tpu.enqueue_dma source(%dma_start3A_136 : memref<64xi32, #tpu.memory_space<hbm>>) target(%arg19 : memref<64xi32, #tpu.memory_space<vmem>>) target_semaphore(%run_scoped3A : memref<!tpu.dma_semaphore, #tpu.memory_space<semaphore_mem>>)
        %dma_wait3A_137 = tpu.memref_slice %arg7[%add3A_134] : memref<10240xi32, #tpu.memory_space<hbm>> -> memref<64xi32, #tpu.memory_space<hbm>>
        %dma_wait3A_138 = tpu.memref_slice %arg7[%add3A_134] : memref<10240xi32, #tpu.memory_space<hbm>> -> memref<64xi32, #tpu.memory_space<hbm>>
        tpu.wait_dma2 semaphore(%run_scoped3A : memref<!tpu.dma_semaphore, #tpu.memory_space<semaphore_mem>>) src(%dma_wait3A_138 : memref<64xi32, #tpu.memory_space<hbm>>) dst(%arg19 : memref<64xi32, #tpu.memory_space<vmem>>)
        tpu.yield
      }) : () -> ()
      "tpu.region"() ({
        %run_scoped3A = tpu.sem_alloc : memref<!tpu.dma_semaphore, #tpu.memory_space<semaphore_mem>>
        %dma_start3A_135 = arith.constant 0 : i32
        %dma_start3A_136 = arith.constant 0 : i32
        %dma_start3A_137 = tpu.memref_slice %arg20[%dma_start3A_135, %dma_start3A_136] : memref<10240x128xf32, #tpu.memory_space<vmem_shared>> -> memref<10240x128xf32, #tpu.memory_space<vmem_shared>>
        tpu.enqueue_indirect_dma source(%arg17 : memref<64x128xf32, #tpu.memory_space<vmem>>) target(%dma_start3A_137 : memref<10240x128xf32, #tpu.memory_space<vmem_shared>>) offsets(%arg19 : memref<64xi32, #tpu.memory_space<vmem>>) semaphore(%run_scoped3A : memref<!tpu.dma_semaphore, #tpu.memory_space<semaphore_mem>>)
        %dma_wait3A_138 = arith.constant 0 : i32
        %dma_wait3A_139 = arith.constant 0 : i32
        %dma_wait3A_140 = tpu.memref_slice %arg20[%dma_wait3A_138, %dma_wait3A_139] : memref<10240x128xf32, #tpu.memory_space<vmem_shared>> -> memref<10240x128xf32, #tpu.memory_space<vmem_shared>>
        tpu.wait_indirect_dma semaphore(%run_scoped3A : memref<!tpu.dma_semaphore, #tpu.memory_space<semaphore_mem>>) src(%arg17 : memref<64x128xf32, #tpu.memory_space<vmem>>) dst(%dma_wait3A_140 : memref<10240x128xf32, #tpu.memory_space<vmem_shared>>)
        tpu.yield
      }) : () -> ()
    }
    %scan3A_74 = arith.constant 10 : i32
    %barrier3A_75 = arith.constant 0 : index
    tpu.barrier barrier_id(%barrier3A_75)
    %min3A_76 = arith.constant 0 : i32
    %min3A_77 = arith.constant 124 : i32
    %min3A_78 = arith.minsi %min3A_76, %min3A_77 : i32
    %mul3A_79 = arith.constant 16 : i32
    %mul3A_80 = arith.muli %min3A_78, %mul3A_79 : i32
    %add3A_81 = arith.addi %add3A, %mul3A_80 : i32
    %mul3A_82 = arith.constant 80 : i32
    %mul3A_83 = arith.muli %add3A_81, %mul3A_82 : i32
    "tpu.region"() ({
      %run_scoped3A = tpu.sem_alloc : memref<!tpu.dma_semaphore, #tpu.memory_space<semaphore_mem>>
      %dma_start3A_131 = tpu.memref_slice %arg3[%mul3A_83] : memref<320000xi32, #tpu.memory_space<hbm>> -> memref<80xi32, #tpu.memory_space<hbm>>
      %dma_start3A_132 = tpu.memref_slice %arg3[%mul3A_83] : memref<320000xi32, #tpu.memory_space<hbm>> -> memref<80xi32, #tpu.memory_space<hbm>>
      tpu.enqueue_dma source(%dma_start3A_132 : memref<80xi32, #tpu.memory_space<hbm>>) target(%arg11 : memref<80xi32, #tpu.memory_space<vmem>>) target_semaphore(%run_scoped3A : memref<!tpu.dma_semaphore, #tpu.memory_space<semaphore_mem>>)
      %dma_wait3A_133 = tpu.memref_slice %arg3[%mul3A_83] : memref<320000xi32, #tpu.memory_space<hbm>> -> memref<80xi32, #tpu.memory_space<hbm>>
      %dma_wait3A_134 = tpu.memref_slice %arg3[%mul3A_83] : memref<320000xi32, #tpu.memory_space<hbm>> -> memref<80xi32, #tpu.memory_space<hbm>>
      tpu.wait_dma2 semaphore(%run_scoped3A : memref<!tpu.dma_semaphore, #tpu.memory_space<semaphore_mem>>) src(%dma_wait3A_134 : memref<80xi32, #tpu.memory_space<hbm>>) dst(%arg11 : memref<80xi32, #tpu.memory_space<vmem>>)
      tpu.yield
    }) : () -> ()
    %dma_start3A_84 = arith.constant 0 : i32
    %dma_start3A_85 = arith.constant 0 : i32
    %dma_start3A_86 = tpu.memref_slice %arg20[%dma_start3A_84, %dma_start3A_85] : memref<10240x128xf32, #tpu.memory_space<vmem_shared>> -> memref<10240x128xf32, #tpu.memory_space<vmem_shared>>
    tpu.enqueue_indirect_dma source(%arg16 : memref<80x128xf32, #tpu.memory_space<vmem>>) target(%dma_start3A_86 : memref<10240x128xf32, #tpu.memory_space<vmem_shared>>) offsets(%arg11 : memref<80xi32, #tpu.memory_space<vmem>>) semaphore(%arg21 : memref<!tpu.dma_semaphore, #tpu.memory_space<semaphore_mem>>) {add = true}
    %min3A_87 = arith.constant 1 : i32
    %min3A_88 = arith.constant 124 : i32
    %min3A_89 = arith.minsi %min3A_87, %min3A_88 : i32
    %mul3A_90 = arith.constant 16 : i32
    %mul3A_91 = arith.muli %min3A_89, %mul3A_90 : i32
    %add3A_92 = arith.addi %add3A, %mul3A_91 : i32
    %mul3A_93 = arith.constant 80 : i32
    %mul3A_94 = arith.muli %add3A_92, %mul3A_93 : i32
    "tpu.region"() ({
      %run_scoped3A = tpu.sem_alloc : memref<!tpu.dma_semaphore, #tpu.memory_space<semaphore_mem>>
      %dma_start3A_131 = tpu.memref_slice %arg3[%mul3A_94] : memref<320000xi32, #tpu.memory_space<hbm>> -> memref<80xi32, #tpu.memory_space<hbm>>
      %dma_start3A_132 = tpu.memref_slice %arg3[%mul3A_94] : memref<320000xi32, #tpu.memory_space<hbm>> -> memref<80xi32, #tpu.memory_space<hbm>>
      tpu.enqueue_dma source(%dma_start3A_132 : memref<80xi32, #tpu.memory_space<hbm>>) target(%arg13 : memref<80xi32, #tpu.memory_space<vmem>>) target_semaphore(%run_scoped3A : memref<!tpu.dma_semaphore, #tpu.memory_space<semaphore_mem>>)
      %dma_wait3A_133 = tpu.memref_slice %arg3[%mul3A_94] : memref<320000xi32, #tpu.memory_space<hbm>> -> memref<80xi32, #tpu.memory_space<hbm>>
      %dma_wait3A_134 = tpu.memref_slice %arg3[%mul3A_94] : memref<320000xi32, #tpu.memory_space<hbm>> -> memref<80xi32, #tpu.memory_space<hbm>>
      tpu.wait_dma2 semaphore(%run_scoped3A : memref<!tpu.dma_semaphore, #tpu.memory_space<semaphore_mem>>) src(%dma_wait3A_134 : memref<80xi32, #tpu.memory_space<hbm>>) dst(%arg13 : memref<80xi32, #tpu.memory_space<vmem>>)
      tpu.yield
    }) : () -> ()
    %dma_start3A_95 = arith.constant 0 : i32
    %dma_start3A_96 = arith.constant 0 : i32
    %dma_start3A_97 = tpu.memref_slice %arg20[%dma_start3A_95, %dma_start3A_96] : memref<10240x128xf32, #tpu.memory_space<vmem_shared>> -> memref<10240x128xf32, #tpu.memory_space<vmem_shared>>
    tpu.enqueue_indirect_dma source(%arg16 : memref<80x128xf32, #tpu.memory_space<vmem>>) target(%dma_start3A_97 : memref<10240x128xf32, #tpu.memory_space<vmem_shared>>) offsets(%arg13 : memref<80xi32, #tpu.memory_space<vmem>>) semaphore(%arg22 : memref<!tpu.dma_semaphore, #tpu.memory_space<semaphore_mem>>) {add = true}
    %scan3A_98 = arith.constant 0 : i32
    %scan3A_99 = arith.constant 0 : i32
    %scan3A_100 = arith.constant 61 : i32
    %scan3A_101 = arith.addi %scan3A_99, %scan3A_100 : i32
    %scan3A_102 = arith.constant 1 : i32
    scf.for %scan3A_131 = %scan3A_99 to %scan3A_101 step %scan3A_102  : i32 {
      %mul3A_132 = arith.constant 2 : i32
      %mul3A_133 = arith.muli %mul3A_132, %scan3A_131 : i32
      %dma_wait3A_134 = arith.constant 0 : i32
      %dma_wait3A_135 = arith.constant 0 : i32
      %dma_wait3A_136 = tpu.memref_slice %arg20[%dma_wait3A_134, %dma_wait3A_135] : memref<10240x128xf32, #tpu.memory_space<vmem_shared>> -> memref<10240x128xf32, #tpu.memory_space<vmem_shared>>
      tpu.wait_indirect_dma semaphore(%arg21 : memref<!tpu.dma_semaphore, #tpu.memory_space<semaphore_mem>>) src(%arg16 : memref<80x128xf32, #tpu.memory_space<vmem>>) dst(%dma_wait3A_136 : memref<10240x128xf32, #tpu.memory_space<vmem_shared>>)
      %add3A_137 = arith.constant 2 : i32
      %add3A_138 = arith.addi %mul3A_133, %add3A_137 : i32
      %min3A_139 = arith.constant 124 : i32
      %min3A_140 = arith.minsi %add3A_138, %min3A_139 : i32
      %mul3A_141 = arith.constant 16 : i32
      %mul3A_142 = arith.muli %min3A_140, %mul3A_141 : i32
      %add3A_143 = arith.addi %add3A, %mul3A_142 : i32
      %mul3A_144 = arith.constant 80 : i32
      %mul3A_145 = arith.muli %add3A_143, %mul3A_144 : i32
      "tpu.region"() ({
        %run_scoped3A = tpu.sem_alloc : memref<!tpu.dma_semaphore, #tpu.memory_space<semaphore_mem>>
        %dma_start3A_164 = tpu.memref_slice %arg3[%mul3A_145] : memref<320000xi32, #tpu.memory_space<hbm>> -> memref<80xi32, #tpu.memory_space<hbm>>
        %dma_start3A_165 = tpu.memref_slice %arg3[%mul3A_145] : memref<320000xi32, #tpu.memory_space<hbm>> -> memref<80xi32, #tpu.memory_space<hbm>>
        tpu.enqueue_dma source(%dma_start3A_165 : memref<80xi32, #tpu.memory_space<hbm>>) target(%arg11 : memref<80xi32, #tpu.memory_space<vmem>>) target_semaphore(%run_scoped3A : memref<!tpu.dma_semaphore, #tpu.memory_space<semaphore_mem>>)
        %dma_wait3A_166 = tpu.memref_slice %arg3[%mul3A_145] : memref<320000xi32, #tpu.memory_space<hbm>> -> memref<80xi32, #tpu.memory_space<hbm>>
        %dma_wait3A_167 = tpu.memref_slice %arg3[%mul3A_145] : memref<320000xi32, #tpu.memory_space<hbm>> -> memref<80xi32, #tpu.memory_space<hbm>>
        tpu.wait_dma2 semaphore(%run_scoped3A : memref<!tpu.dma_semaphore, #tpu.memory_space<semaphore_mem>>) src(%dma_wait3A_167 : memref<80xi32, #tpu.memory_space<hbm>>) dst(%arg11 : memref<80xi32, #tpu.memory_space<vmem>>)
        tpu.yield
      }) : () -> ()
      %dma_start3A_146 = arith.constant 0 : i32
      %dma_start3A_147 = arith.constant 0 : i32
      %dma_start3A_148 = tpu.memref_slice %arg20[%dma_start3A_146, %dma_start3A_147] : memref<10240x128xf32, #tpu.memory_space<vmem_shared>> -> memref<10240x128xf32, #tpu.memory_space<vmem_shared>>
      tpu.enqueue_indirect_dma source(%arg16 : memref<80x128xf32, #tpu.memory_space<vmem>>) target(%dma_start3A_148 : memref<10240x128xf32, #tpu.memory_space<vmem_shared>>) offsets(%arg11 : memref<80xi32, #tpu.memory_space<vmem>>) semaphore(%arg21 : memref<!tpu.dma_semaphore, #tpu.memory_space<semaphore_mem>>) {add = true}
      %dma_wait3A_149 = arith.constant 0 : i32
      %dma_wait3A_150 = arith.constant 0 : i32
      %dma_wait3A_151 = tpu.memref_slice %arg20[%dma_wait3A_149, %dma_wait3A_150] : memref<10240x128xf32, #tpu.memory_space<vmem_shared>> -> memref<10240x128xf32, #tpu.memory_space<vmem_shared>>
      tpu.wait_indirect_dma semaphore(%arg22 : memref<!tpu.dma_semaphore, #tpu.memory_space<semaphore_mem>>) src(%arg16 : memref<80x128xf32, #tpu.memory_space<vmem>>) dst(%dma_wait3A_151 : memref<10240x128xf32, #tpu.memory_space<vmem_shared>>)
      %add3A_152 = arith.constant 3 : i32
      %add3A_153 = arith.addi %mul3A_133, %add3A_152 : i32
      %min3A_154 = arith.constant 124 : i32
      %min3A_155 = arith.minsi %add3A_153, %min3A_154 : i32
      %mul3A_156 = arith.constant 16 : i32
      %mul3A_157 = arith.muli %min3A_155, %mul3A_156 : i32
      %add3A_158 = arith.addi %add3A, %mul3A_157 : i32
      %mul3A_159 = arith.constant 80 : i32
      %mul3A_160 = arith.muli %add3A_158, %mul3A_159 : i32
      "tpu.region"() ({
        %run_scoped3A = tpu.sem_alloc : memref<!tpu.dma_semaphore, #tpu.memory_space<semaphore_mem>>
        %dma_start3A_164 = tpu.memref_slice %arg3[%mul3A_160] : memref<320000xi32, #tpu.memory_space<hbm>> -> memref<80xi32, #tpu.memory_space<hbm>>
        %dma_start3A_165 = tpu.memref_slice %arg3[%mul3A_160] : memref<320000xi32, #tpu.memory_space<hbm>> -> memref<80xi32, #tpu.memory_space<hbm>>
        tpu.enqueue_dma source(%dma_start3A_165 : memref<80xi32, #tpu.memory_space<hbm>>) target(%arg13 : memref<80xi32, #tpu.memory_space<vmem>>) target_semaphore(%run_scoped3A : memref<!tpu.dma_semaphore, #tpu.memory_space<semaphore_mem>>)
        %dma_wait3A_166 = tpu.memref_slice %arg3[%mul3A_160] : memref<320000xi32, #tpu.memory_space<hbm>> -> memref<80xi32, #tpu.memory_space<hbm>>
        %dma_wait3A_167 = tpu.memref_slice %arg3[%mul3A_160] : memref<320000xi32, #tpu.memory_space<hbm>> -> memref<80xi32, #tpu.memory_space<hbm>>
        tpu.wait_dma2 semaphore(%run_scoped3A : memref<!tpu.dma_semaphore, #tpu.memory_space<semaphore_mem>>) src(%dma_wait3A_167 : memref<80xi32, #tpu.memory_space<hbm>>) dst(%arg13 : memref<80xi32, #tpu.memory_space<vmem>>)
        tpu.yield
      }) : () -> ()
      %dma_start3A_161 = arith.constant 0 : i32
      %dma_start3A_162 = arith.constant 0 : i32
      %dma_start3A_163 = tpu.memref_slice %arg20[%dma_start3A_161, %dma_start3A_162] : memref<10240x128xf32, #tpu.memory_space<vmem_shared>> -> memref<10240x128xf32, #tpu.memory_space<vmem_shared>>
      tpu.enqueue_indirect_dma source(%arg16 : memref<80x128xf32, #tpu.memory_space<vmem>>) target(%dma_start3A_163 : memref<10240x128xf32, #tpu.memory_space<vmem_shared>>) offsets(%arg13 : memref<80xi32, #tpu.memory_space<vmem>>) semaphore(%arg22 : memref<!tpu.dma_semaphore, #tpu.memory_space<semaphore_mem>>) {add = true}
    }
    %scan3A_103 = arith.constant 61 : i32
    %dma_wait3A_104 = arith.constant 0 : i32
    %dma_wait3A_105 = arith.constant 0 : i32
    %dma_wait3A_106 = tpu.memref_slice %arg20[%dma_wait3A_104, %dma_wait3A_105] : memref<10240x128xf32, #tpu.memory_space<vmem_shared>> -> memref<10240x128xf32, #tpu.memory_space<vmem_shared>>
    tpu.wait_indirect_dma semaphore(%arg21 : memref<!tpu.dma_semaphore, #tpu.memory_space<semaphore_mem>>) src(%arg16 : memref<80x128xf32, #tpu.memory_space<vmem>>) dst(%dma_wait3A_106 : memref<10240x128xf32, #tpu.memory_space<vmem_shared>>)
    %min3A_107 = arith.constant 124 : i32
    %min3A_108 = arith.constant 124 : i32
    %min3A_109 = arith.minsi %min3A_107, %min3A_108 : i32
    %mul3A_110 = arith.constant 16 : i32
    %mul3A_111 = arith.muli %min3A_109, %mul3A_110 : i32
    %add3A_112 = arith.addi %add3A, %mul3A_111 : i32
    %mul3A_113 = arith.constant 80 : i32
    %mul3A_114 = arith.muli %add3A_112, %mul3A_113 : i32
    "tpu.region"() ({
      %run_scoped3A = tpu.sem_alloc : memref<!tpu.dma_semaphore, #tpu.memory_space<semaphore_mem>>
      %dma_start3A_131 = tpu.memref_slice %arg3[%mul3A_114] : memref<320000xi32, #tpu.memory_space<hbm>> -> memref<80xi32, #tpu.memory_space<hbm>>
      %dma_start3A_132 = tpu.memref_slice %arg3[%mul3A_114] : memref<320000xi32, #tpu.memory_space<hbm>> -> memref<80xi32, #tpu.memory_space<hbm>>
      tpu.enqueue_dma source(%dma_start3A_132 : memref<80xi32, #tpu.memory_space<hbm>>) target(%arg11 : memref<80xi32, #tpu.memory_space<vmem>>) target_semaphore(%run_scoped3A : memref<!tpu.dma_semaphore, #tpu.memory_space<semaphore_mem>>)
      %dma_wait3A_133 = tpu.memref_slice %arg3[%mul3A_114] : memref<320000xi32, #tpu.memory_space<hbm>> -> memref<80xi32, #tpu.memory_space<hbm>>
      %dma_wait3A_134 = tpu.memref_slice %arg3[%mul3A_114] : memref<320000xi32, #tpu.memory_space<hbm>> -> memref<80xi32, #tpu.memory_space<hbm>>
      tpu.wait_dma2 semaphore(%run_scoped3A : memref<!tpu.dma_semaphore, #tpu.memory_space<semaphore_mem>>) src(%dma_wait3A_134 : memref<80xi32, #tpu.memory_space<hbm>>) dst(%arg11 : memref<80xi32, #tpu.memory_space<vmem>>)
      tpu.yield
    }) : () -> ()
    %dma_start3A_115 = arith.constant 0 : i32
    %dma_start3A_116 = arith.constant 0 : i32
    %dma_start3A_117 = tpu.memref_slice %arg20[%dma_start3A_115, %dma_start3A_116] : memref<10240x128xf32, #tpu.memory_space<vmem_shared>> -> memref<10240x128xf32, #tpu.memory_space<vmem_shared>>
    tpu.enqueue_indirect_dma source(%arg16 : memref<80x128xf32, #tpu.memory_space<vmem>>) target(%dma_start3A_117 : memref<10240x128xf32, #tpu.memory_space<vmem_shared>>) offsets(%arg11 : memref<80xi32, #tpu.memory_space<vmem>>) semaphore(%arg21 : memref<!tpu.dma_semaphore, #tpu.memory_space<semaphore_mem>>) {add = true}
    %dma_wait3A_118 = arith.constant 0 : i32
    %dma_wait3A_119 = arith.constant 0 : i32
    %dma_wait3A_120 = tpu.memref_slice %arg20[%dma_wait3A_118, %dma_wait3A_119] : memref<10240x128xf32, #tpu.memory_space<vmem_shared>> -> memref<10240x128xf32, #tpu.memory_space<vmem_shared>>
    tpu.wait_indirect_dma semaphore(%arg22 : memref<!tpu.dma_semaphore, #tpu.memory_space<semaphore_mem>>) src(%arg16 : memref<80x128xf32, #tpu.memory_space<vmem>>) dst(%dma_wait3A_120 : memref<10240x128xf32, #tpu.memory_space<vmem_shared>>)
    %dma_wait3A_121 = arith.constant 0 : i32
    %dma_wait3A_122 = arith.constant 0 : i32
    %dma_wait3A_123 = tpu.memref_slice %arg20[%dma_wait3A_121, %dma_wait3A_122] : memref<10240x128xf32, #tpu.memory_space<vmem_shared>> -> memref<10240x128xf32, #tpu.memory_space<vmem_shared>>
    tpu.wait_indirect_dma semaphore(%arg21 : memref<!tpu.dma_semaphore, #tpu.memory_space<semaphore_mem>>) src(%arg16 : memref<80x128xf32, #tpu.memory_space<vmem>>) dst(%dma_wait3A_123 : memref<10240x128xf32, #tpu.memory_space<vmem_shared>>)
    %barrier3A_124 = arith.constant 0 : index
    tpu.barrier barrier_id(%barrier3A_124)
    %scan3A_125 = arith.constant 0 : i32
    %scan3A_126 = arith.constant 0 : i32
    %scan3A_127 = arith.constant 10 : i32
    %scan3A_128 = arith.addi %scan3A_126, %scan3A_127 : i32
    %scan3A_129 = arith.constant 1 : i32
    scf.for %scan3A_131 = %scan3A_126 to %scan3A_128 step %scan3A_129  : i32 {
      %mul3A_132 = arith.constant 64 : i32
      %mul3A_133 = arith.muli %scan3A_131, %mul3A_132 : i32
      %add3A_134 = arith.addi %mul3A_0, %mul3A_133 : i32
      %mul3A_135 = arith.constant 64 : i32
      %mul3A_136 = arith.muli %scan3A_131, %mul3A_135 : i32
      %dma_start3A_137 = tpu.memref_slice %arg18[%mul3A_136] : memref<640xi32, #tpu.memory_space<vmem>> -> memref<64xi32, #tpu.memory_space<vmem>>
      %dma_start3A_138 = arith.constant 0 : i32
      %dma_start3A_139 = arith.constant 0 : i32
      %dma_start3A_140 = tpu.memref_slice %arg20[%dma_start3A_138, %dma_start3A_139] : memref<10240x128xf32, #tpu.memory_space<vmem_shared>> -> memref<10240x128xf32, #tpu.memory_space<vmem_shared>>
      tpu.enqueue_indirect_dma source(%dma_start3A_140 : memref<10240x128xf32, #tpu.memory_space<vmem_shared>>) target(%arg17 : memref<64x128xf32, #tpu.memory_space<vmem>>) offsets(%dma_start3A_137 : memref<64xi32, #tpu.memory_space<vmem>>) semaphore(%arg21 : memref<!tpu.dma_semaphore, #tpu.memory_space<semaphore_mem>>)
      %dma_wait3A_141 = tpu.memref_slice %arg18[%mul3A_136] : memref<640xi32, #tpu.memory_space<vmem>> -> memref<64xi32, #tpu.memory_space<vmem>>
      %dma_wait3A_142 = arith.constant 0 : i32
      %dma_wait3A_143 = arith.constant 0 : i32
      %dma_wait3A_144 = tpu.memref_slice %arg20[%dma_wait3A_142, %dma_wait3A_143] : memref<10240x128xf32, #tpu.memory_space<vmem_shared>> -> memref<10240x128xf32, #tpu.memory_space<vmem_shared>>
      tpu.wait_indirect_dma semaphore(%arg21 : memref<!tpu.dma_semaphore, #tpu.memory_space<semaphore_mem>>) src(%dma_wait3A_144 : memref<10240x128xf32, #tpu.memory_space<vmem_shared>>) dst(%arg17 : memref<64x128xf32, #tpu.memory_space<vmem>>)
      "tpu.region"() ({
        %run_scoped3A = tpu.sem_alloc : memref<!tpu.dma_semaphore, #tpu.memory_space<semaphore_mem>>
        %dma_start3A_145 = arith.constant 0 : i32
        %dma_start3A_146 = tpu.memref_slice %arg9[%arg0, %add3A_134, %dma_start3A_145] : memref<2x10240x128xf32, #tpu.memory_space<hbm>> -> memref<1x64x128xf32, #tpu.memory_space<hbm>>
        %dma_start3A_147 = tpu.memref_squeeze %dma_start3A_146 : memref<1x64x128xf32, #tpu.memory_space<hbm>> -> memref<64x128xf32, #tpu.memory_space<hbm>>
        %dma_start3A_148 = arith.constant 0 : i32
        %dma_start3A_149 = tpu.memref_slice %arg9[%arg0, %add3A_134, %dma_start3A_148] : memref<2x10240x128xf32, #tpu.memory_space<hbm>> -> memref<1x64x128xf32, #tpu.memory_space<hbm>>
        %dma_start3A_150 = tpu.memref_squeeze %dma_start3A_149 : memref<1x64x128xf32, #tpu.memory_space<hbm>> -> memref<64x128xf32, #tpu.memory_space<hbm>>
        tpu.enqueue_dma source(%arg17 : memref<64x128xf32, #tpu.memory_space<vmem>>) target(%dma_start3A_150 : memref<64x128xf32, #tpu.memory_space<hbm>>) target_semaphore(%run_scoped3A : memref<!tpu.dma_semaphore, #tpu.memory_space<semaphore_mem>>)
        %dma_wait3A_151 = arith.constant 0 : i32
        %dma_wait3A_152 = tpu.memref_slice %arg9[%arg0, %add3A_134, %dma_wait3A_151] : memref<2x10240x128xf32, #tpu.memory_space<hbm>> -> memref<1x64x128xf32, #tpu.memory_space<hbm>>
        %dma_wait3A_153 = tpu.memref_squeeze %dma_wait3A_152 : memref<1x64x128xf32, #tpu.memory_space<hbm>> -> memref<64x128xf32, #tpu.memory_space<hbm>>
        %dma_wait3A_154 = arith.constant 0 : i32
        %dma_wait3A_155 = tpu.memref_slice %arg9[%arg0, %add3A_134, %dma_wait3A_154] : memref<2x10240x128xf32, #tpu.memory_space<hbm>> -> memref<1x64x128xf32, #tpu.memory_space<hbm>>
        %dma_wait3A_156 = tpu.memref_squeeze %dma_wait3A_155 : memref<1x64x128xf32, #tpu.memory_space<hbm>> -> memref<64x128xf32, #tpu.memory_space<hbm>>
        tpu.wait_dma2 semaphore(%run_scoped3A : memref<!tpu.dma_semaphore, #tpu.memory_space<semaphore_mem>>) src(%arg17 : memref<64x128xf32, #tpu.memory_space<vmem>>) dst(%dma_wait3A_156 : memref<64x128xf32, #tpu.memory_space<hbm>>)
        tpu.yield
      }) : () -> ()
    }
    %scan3A_130 = arith.constant 10 : i32
    return
  }
}

module attributes {stable_mosaic.version = 14 : i64} {
  func.func @_tc_body(%arg0: i32, %arg1: memref<1000x128xf32, #tpu.memory_space<vmem>>, %arg2: memref<2x1000x128xf32, #tpu.memory_space<vmem>>, %arg3: memref<2x1000x128xf32, #tpu.memory_space<vmem>>, %arg4: memref<128x128xf32, #tpu.memory_space<vmem>>, %arg5: memref<128x128xf32, #tpu.memory_space<vmem>>, %arg6: memref<1x128xf32, #tpu.memory_space<vmem>>, %arg7: memref<1000x128xf32, #tpu.memory_space<vmem>>) attributes {dimension_semantics = [#tpu.dimension_semantics<arbitrary>], iteration_bounds = array<i64: 10>, scalar_prefetch = 0 : i64, scratch_operands = 0 : i64, tpu.core_type = #tpu.core_type<tc>, window_params = [{transform_indices = @transform_0, window_bounds = array<i64: 1000, 128>}, {transform_indices = @transform_1, window_bounds = array<i64: 2, 1000, 128>}, {transform_indices = @transform_2, window_bounds = array<i64: 2, 1000, 128>}, {pipeline_mode = #tpu.pipeline_mode<synchronous>, transform_indices = @transform_3, window_bounds = array<i64: 128, 128>}, {pipeline_mode = #tpu.pipeline_mode<synchronous>, transform_indices = @transform_4, window_bounds = array<i64: 128, 128>}, {pipeline_mode = #tpu.pipeline_mode<synchronous>, transform_indices = @transform_5, window_bounds = array<i64: 1, 128>}, {transform_indices = @transform_6, window_bounds = array<i64: 1000, 128>}]} {
    %get3A = arith.constant 0 : index
    %get3A_0 = arith.constant 0 : index
    %get3A_1 = arith.constant 0 : index
    %get3A_2 = vector.load %arg2[%get3A, %get3A_0, %get3A_1] : memref<2x1000x128xf32, #tpu.memory_space<vmem>>, vector<1x1000x128xf32>
    %get3A_3 = vector.shape_cast %get3A_2 : vector<1x1000x128xf32> to vector<1000x128xf32>
    %get3A_4 = arith.constant 1 : index
    %get3A_5 = arith.constant 0 : index
    %get3A_6 = arith.constant 0 : index
    %get3A_7 = vector.load %arg2[%get3A_4, %get3A_5, %get3A_6] : memref<2x1000x128xf32, #tpu.memory_space<vmem>>, vector<1x1000x128xf32>
    %get3A_8 = vector.shape_cast %get3A_7 : vector<1x1000x128xf32> to vector<1000x128xf32>
    %add3A = arith.addf %get3A_3, %get3A_8 : vector<1000x128xf32>
    %get3A_9 = arith.constant 0 : index
    %get3A_10 = arith.constant 0 : index
    %get3A_11 = arith.constant 0 : index
    %get3A_12 = vector.load %arg3[%get3A_9, %get3A_10, %get3A_11] : memref<2x1000x128xf32, #tpu.memory_space<vmem>>, vector<1x1000x1xf32>
    %get3A_13 = vector.shape_cast %get3A_12 : vector<1x1000x1xf32> to vector<1000x1xf32>
    %get3A_14 = arith.constant 1 : index
    %get3A_15 = arith.constant 0 : index
    %get3A_16 = arith.constant 0 : index
    %get3A_17 = vector.load %arg3[%get3A_14, %get3A_15, %get3A_16] : memref<2x1000x128xf32, #tpu.memory_space<vmem>>, vector<1x1000x1xf32>
    %get3A_18 = vector.shape_cast %get3A_17 : vector<1x1000x1xf32> to vector<1000x1xf32>
    %add3A_19 = arith.addf %get3A_13, %get3A_18 : vector<1000x1xf32>
    %max3A = arith.constant 1.000000e+00 : f32
    %max3A_20 = vector.broadcast %max3A : f32 to vector<1000x1xf32>
    %max3A_21 = arith.maximumf %add3A_19, %max3A_20 : vector<1000x1xf32>
    %div3A = vector.broadcast %max3A_21 : vector<1000x1xf32> to vector<1000x128xf32>
    %div3A_22 = arith.divf %add3A, %div3A : vector<1000x128xf32>
    %get3A_23 = arith.constant 0 : index
    %get3A_24 = arith.constant 0 : index
    %get3A_25 = vector.load %arg1[%get3A_23, %get3A_24] : memref<1000x128xf32, #tpu.memory_space<vmem>>, vector<1000x128xf32>
    %get3A_26 = arith.constant 0 : index
    %get3A_27 = arith.constant 0 : index
    %get3A_28 = vector.load %arg4[%get3A_26, %get3A_27] : memref<128x128xf32, #tpu.memory_space<vmem>>, vector<128x128xf32>
    %dot_general3A = arith.constant dense<0.000000e+00> : vector<1000x128xf32>
    %dot_general3A_29 = tpu.matmul %get3A_25, %get3A_28, %dot_general3A {dimension_numbers = #tpu.dot_dimension_numbers<[1], [0], [0], [1], [0, 0, 1, 1], [], []>, transpose_lhs_hint = false} : vector<1000x128xf32>, vector<128x128xf32>, vector<1000x128xf32> -> vector<1000x128xf32>
    %get3A_30 = arith.constant 0 : index
    %get3A_31 = arith.constant 0 : index
    %get3A_32 = vector.load %arg5[%get3A_30, %get3A_31] : memref<128x128xf32, #tpu.memory_space<vmem>>, vector<128x128xf32>
    %dot_general3A_33 = arith.constant dense<0.000000e+00> : vector<1000x128xf32>
    %dot_general3A_34 = tpu.matmul %div3A_22, %get3A_32, %dot_general3A_33 {dimension_numbers = #tpu.dot_dimension_numbers<[1], [0], [0], [1], [0, 0, 1, 1], [], []>, transpose_lhs_hint = false} : vector<1000x128xf32>, vector<128x128xf32>, vector<1000x128xf32> -> vector<1000x128xf32>
    %add3A_35 = arith.addf %dot_general3A_29, %dot_general3A_34 : vector<1000x128xf32>
    %get3A_36 = arith.constant 0 : index
    %get3A_37 = arith.constant 0 : index
    %get3A_38 = vector.load %arg6[%get3A_36, %get3A_37] : memref<1x128xf32, #tpu.memory_space<vmem>>, vector<1x128xf32>
    %add3A_39 = vector.broadcast %get3A_38 : vector<1x128xf32> to vector<1000x128xf32>
    %add3A_40 = arith.addf %add3A_35, %add3A_39 : vector<1000x128xf32>
    %swap3A = arith.constant 0 : index
    %swap3A_41 = arith.constant 0 : index
    %swap3A_42 = vector.load %arg7[%swap3A, %swap3A_41] : memref<1000x128xf32, #tpu.memory_space<vmem>>, vector<1000x128xf32>
    tpu.vector_store %arg7[%swap3A, %swap3A_41], %add3A_40 {strides = array<i32>} : memref<1000x128xf32, #tpu.memory_space<vmem>>, vector<1000x128xf32>,
    return
  }
  func.func @transform_0(%arg0: i32) -> (i32, i32) {
    %c0_i32 = arith.constant 0 : i32
    %c0_i32_0 = arith.constant 0 : i32
    return %arg0, %c0_i32 : i32, i32
  }
  func.func @transform_1(%arg0: i32) -> (i32, i32, i32) {
    %c0_i32 = arith.constant 0 : i32
    %c0_i32_0 = arith.constant 0 : i32
    %c0_i32_1 = arith.constant 0 : i32
    return %c0_i32, %arg0, %c0_i32_0 : i32, i32, i32
  }
  func.func @transform_2(%arg0: i32) -> (i32, i32, i32) {
    %c0_i32 = arith.constant 0 : i32
    %c0_i32_0 = arith.constant 0 : i32
    %c0_i32_1 = arith.constant 0 : i32
    return %c0_i32, %arg0, %c0_i32_0 : i32, i32, i32
  }
  func.func @transform_3(%arg0: i32) -> (i32, i32) {
    %c0_i32 = arith.constant 0 : i32
    %c0_i32_0 = arith.constant 0 : i32
    %c0_i32_1 = arith.constant 0 : i32
    return %c0_i32, %c0_i32_0 : i32, i32
  }
  func.func @transform_4(%arg0: i32) -> (i32, i32) {
    %c0_i32 = arith.constant 0 : i32
    %c0_i32_0 = arith.constant 0 : i32
    %c0_i32_1 = arith.constant 0 : i32
    return %c0_i32, %c0_i32_0 : i32, i32
  }
  func.func @transform_5(%arg0: i32) -> (i32, i32) {
    %c0_i32 = arith.constant 0 : i32
    %c0_i32_0 = arith.constant 0 : i32
    %c0_i32_1 = arith.constant 0 : i32
    return %c0_i32, %c0_i32_0 : i32, i32
  }
  func.func @transform_6(%arg0: i32) -> (i32, i32) {
    %c0_i32 = arith.constant 0 : i32
    %c0_i32_0 = arith.constant 0 : i32
    return %arg0, %c0_i32 : i32, i32
  }
}

</mosaic_0001>

<sc_bundles>
// kernel: kernel.4.cloned.1.call-start
scs
__scs_entry_jumppad:
0x0: {  	(pc) =	sbr.rel $0x88, $3  }
0x1: {  	(tag) =	ssettag $0x0;
	lr =	simm.s32 $0x1  }
0x2: {  	[smem:$0x3F9B] =	sst lr;
	_ =	strace $0xD0000000  }
0x3: {  	_ = 	snop  }
0x4: {  	_ = 	snop  }
0x5: {  	_ = 	snop  }
0x6: {  	_ = 	snop  }
0x7: {  	_ = 	snop  }
__scs_overlays_trampoline_lowered:
0x8: {  	[smem:$0x3FAA] =	sst s0  }
0x9: {  	[smem:$0x3FAB] =	sst s1  }
0xa: {  	[smem:$0x3FAC] =	sst s2  }
0xb: {  	[smem:$0x3FAD] =	sst s3  }
0xc: {  	[smem:$0x3FAE] =	sst s4  }
0xd: {  	[smem:$0x3FAF] =	sst s5  }
0xe: {  	[smem:$0x3FB0] =	sst s6  }
0xf: {  	[smem:$0x3FB1] =	sst s7  }
0x10: {  	[smem:$0x3FB2] =	sst s8  }
0x11: {  	[smem:$0x3FB3] =	sst s9;
	s0 =	simm.s32 @!p0 $0x0  }
0x12: {  	s1 =	sld [smem:$0x3F99];
	s0 =	simm.s32 @p0 $0x1  }
0x13: {  	[smem:$0x3FB4] =	sst s0;
	s0 =	simm.s32 @!p1 $0x0  }
0x14: {  	s2 =	sld [smem:$0x3F98];
	s0 =	simm.s32 @p1 $0x1  }
0x15: {  	[smem:$0x3FB5] =	sst s0;
	s0 =	simm.s32 @!p2 $0x0  }
0x16: {  	s3 =	sld [smem:$0x3FDB];
	s0 =	simm.s32 @p2 $0x1  }
0x17: {  	s4 =	simm.s32 $0x1BF5;
	[smem:$0x3FB7] =	sst s0  }
0x18: {  	s0 =	sld [smem:$0x3F9A];
	_ =	swait.ge [sflag:s4], $0x0  }
0x19: {  	s7 =	sld [smem:$0x3F9B]  }
0x1a: {  	s8 =	sadd.s32 $0xFFFFE003, lr  }
0x1b: {  	s9 =	sadd.s32 $0xFFFFFEF7, lr;
	s5 =	simm.s32 $0xFFFFFFFF;
	p2 =	slt.u32 s8, $0xFFFFF086  }
0x1c: {  	p1 =	slt.u32 s9, $0xF7A;
	s5 =	simm.s32 @!p2 $0x0  }
0x1d: {  	s5 =	simm.s32 @p1 $0x1;
	p0 =	seq.s32 s7, s2  }
0x1e: {  	s7 =	smul.u32 @!p0 $0xF7A, s2;
	p2 =	seq.s32 @!p0 s5, $0x0  }
0x1f: {  	s9 =	smul.u32 $0xF7A, s1;
	s8 =	simm.s32 @!p0 $0x1BF5;
	p2 =	por !p2, p0  }
0x20: {  	[sflag:s8] =	ssyncset.s32 @!p0 $0xFFFFF086;
	s6 =	sadd.s32 @!p0 s3, s7;
	s7 =	simm.s32 @!p0 $0x108  }
0x21: {  	s3 =	sadd.s32 s3, s9;
	s6 =	sadd.s32 @!p0 $0x88, s6;
	s7 =	simm.s32 @p2 $0x1082  }
0x22: {  	[simem:s7], [sflag:s8] =	dma.local @!p0 [hbm:s6], $0xF7A  }
0x23: {  	s9 =	sor.u32 $0xD0000000, s2;
	s6 =	simm.s32 $0x108;
	_ =	swait.ge @!p0 [sflag:s8], $0x0  }
0x24: {  	s3 =	sadd.s32 $0x88, s3;
	s6 =	simm.s32 @!p1 $0x1082;
	[sflag:s4] =	ssyncset.s32 $0xFFFFF086  }
0x25: {  	[simem:s6], [sflag:s4] =	dma.local [hbm:s3], $0xF7A  }
0x26: {  	[smem:$0x3F9B] =	sst s1;
	(tag) =	ssettag s2;
	_ =	strace s9  }
0x27: {  	s1 =	sld [smem:$0x3FAB]  }
0x28: {  	s2 =	sld [smem:$0x3FAC]  }
0x29: {  	s4 =	sld [smem:$0x3FAE]  }
0x2a: {  	p0 =	seq.s32 s5, $0x0;
	s5 =	sld [smem:$0x3FAF]  }
0x2b: {  	s6 =	sld [smem:$0x3FB0]  }
0x2c: {  	s7 =	sld [smem:$0x3FB1]  }
0x2d: {  	s3 =	simm.s32 $0x108;
	s8 =	sld [smem:$0x3FB2]  }
0x2e: {  	s3 =	simm.s32 @!p0 $0x1082;
	s9 =	sld [smem:$0x3FB3]  }
0x2f: {  	lr =	sadd.s32 s0, s3;
	s0 =	sld [smem:$0x3FAA]  }
0x30: {  	s3 =	sld [smem:$0x3FAD]  }
0x31: {  	[smem:$0x3FB6] =	sst s10  }
0x32: {  	s10 =	sld [smem:$0x3FB4];
	_ =	sdelay $0x3  }
0x33: {  	p0 =	seq.s32 s10, $0x1;
	s10 =	sld [smem:$0x3FB6];
	_ =	sdelay $0x3  }
0x34: {  	[smem:$0x3FB6] =	sst s10  }
0x35: {  	s10 =	sld [smem:$0x3FB5];
	_ =	sdelay $0x3  }
0x36: {  	p1 =	seq.s32 s10, $0x1;
	s10 =	sld [smem:$0x3FB6];
	_ =	sdelay $0x3  }
0x37: {  	[smem:$0x3FB6] =	sst s10  }
0x38: {  	s10 =	sld [smem:$0x3FB7]  }
0x39: {  	_ = 	snop;
	(pc) =	sbr.ind lr, $3  }
0x3a: {  	_ = 	snop  }
0x3b: {  	_ = 	snop  }
0x3c: {  	p2 =	seq.s32 s10, $0x1;
	s10 =	sld [smem:$0x3FB6]  }
0x3d: {  	_ =	shalt  }
0x3e: {  	_ =	shalt  }
0x3f: {  	_ =	shalt  }
0x40: {  	_ =	shalt  }
0x41: {  	_ =	shalt  }
0x42: {  	_ =	shalt  }
0x43: {  	_ =	shalt  }
0x44: {  	_ =	shalt  }
0x45: {  	_ =	shalt  }
0x46: {  	_ =	shalt  }
0x47: {  	_ =	shalt  }
0x48: {  	_ =	shalt  }
0x49: {  	_ =	shalt  }
0x4a: {  	_ =	shalt  }
0x4b: {  	_ =	shalt  }
0x4c: {  	_ =	shalt  }
0x4d: {  	_ =	shalt  }
0x4e: {  	_ =	shalt  }
0x4f: {  	_ =	shalt  }
0x50: {  	_ =	shalt  }
0x51: {  	_ =	shalt  }
0x52: {  	_ =	shalt  }
0x53: {  	_ =	shalt  }
0x54: {  	_ =	shalt  }
0x55: {  	_ =	shalt  }
0x56: {  	_ =	shalt  }
0x57: {  	_ =	shalt  }
0x58: {  	_ =	shalt  }
0x59: {  	_ =	shalt  }
0x5a: {  	_ =	shalt  }
0x5b: {  	_ =	shalt  }
0x5c: {  	_ =	shalt  }
0x5d: {  	_ =	shalt  }
0x5e: {  	_ =	shalt  }
0x5f: {  	_ =	shalt  }
0x60: {  	_ =	shalt  }
0x61: {  	_ =	shalt  }
0x62: {  	_ =	shalt  }
0x63: {  	_ =	shalt  }
0x64: {  	_ =	shalt  }
0x65: {  	_ =	shalt  }
0x66: {  	_ =	shalt  }
0x67: {  	_ =	shalt  }
0x68: {  	_ =	shalt  }
0x69: {  	_ =	shalt  }
0x6a: {  	_ =	shalt  }
0x6b: {  	_ =	shalt  }
0x6c: {  	_ =	shalt  }
0x6d: {  	_ =	shalt  }
0x6e: {  	_ =	shalt  }
0x6f: {  	_ =	shalt  }
0x70: {  	_ =	shalt  }
0x71: {  	_ =	shalt  }
0x72: {  	_ =	shalt  }
0x73: {  	_ =	shalt  }
0x74: {  	_ =	shalt  }
0x75: {  	_ =	shalt  }
0x76: {  	_ =	shalt  }
0x77: {  	_ =	shalt  }
0x78: {  	_ =	shalt  }
0x79: {  	_ =	shalt  }
0x7a: {  	_ =	shalt  }
0x7b: {  	_ =	shalt  }
0x7c: {  	_ =	shalt  }
0x7d: {  	_ =	shalt  }
0x7e: {  	_ =	shalt  }
0x7f: {  	_ =	shalt  }
0x80: {  	_ =	shalt  }
0x81: {  	_ =	shalt  }
0x82: {  	_ =	shalt  }
0x83: {  	_ =	shalt  }
0x84: {  	_ =	shalt  }
0x85: {  	_ =	shalt  }
0x86: {  	_ =	shalt  }
0x87: {  	_ =	shalt  }
.Lfunc_end0:
.L_simem_size_0:
called_computation_lowered:
.L_overlay_start_0:
0x88: {  	s2 =	sld [smem:$0x3FD9]  }
0x89: {  	s3 =	sld [smem:$0x3FFE];
	_ =	sdelay $0x1  }
0x8a: {  	s1 =	srdreg.scid  }
0x8b: {  	s0 =	sand.u32 $0x1, s1  }
0x8c: {  	s17 =	sshll.u32 s0, $0xA;
	s2 =	sadd.s32 s3, s2  }
0x8d: {  	s2 =	sadd.s32 s2, s17  }
0x8e: {  	[smem:$0x3FC2] =	sst s2  }
0x8f: {  	_ = 	snop  }
0x90: {  	s2 =	sld [smem:$0x3FC9]  }
0x91: {  	s18 =	sld [smem:$0x3FD0];
	(tm) =	ssettm $0x1  }
0x92: {  	s4 =	sld [smem:$0x3FFB];
	_ =	sdelay $0x3  }
0x93: {  	_ =	strace s4  }
0x94: {  	s4 =	sld [smem:$0x3FFC];
	_ =	sdelay $0x3  }
0x95: {  	_ =	strace s4  }
0x96: {  	s4 =	sld [smem:$0x3FFD];
	_ =	sdelay $0x3  }
0x97: {  	_ =	strace s4  }
0x98: {  	_ =	strace $0x8FFFFFFF  }
0x99: {  	s19 =	sld [smem:$0x3FDB];
	_ =	sdelay $0x1  }
0x9a: {  	s5 =	simm.s32 $_scs_section_size  }
0x9b: {  	s6 =	simm.s32 $_size__tile_overlayer_lowered;
	s7 =	simm.s32 $_tile_overlayer_lowered  }
0x9c: {  	s22 =	simm.s32 $0x1BFF;
	s21 =	sshll.u32 s7, $0x1;
	s4 =	sadd.s32 s5, s19  }
0x9d: {  	s8 =	simm.s32 $0x0;
	s20 =	sshll.u32 s6, $0x1;
	s6 =	sadd.s32 s21, s4  }
0x9e: {  	[timem:s8], [sflag:s22] =	dma.local [hbm:s6], s20  }
0x9f: {  	_ =	swait.ge [sflag:s22], s20  }
0xa0: {  	s5 =	ssub.s32 $0x0, s20;
	[sflag:s22] =	ssyncset.done $0x0  }
0xa1: {  	[sflag:s22] =	ssyncadd.s32 s5;
	_ =	sdelay $0x1  }
0xa2: {  	s23 =	simm.s32 $0x1B8B  }
0xa3: {  	_ =	swait.ge [sflag:s23], $0x1  }
0xa4: {  	[sflag:s23] =	ssyncset.done $0x0  }
0xa5: {  	s25 =	simm.s32 $0x1B8E;
	s24 =	sld [smem:$0x3FFE];
	[sflag:s23] =	ssyncadd.s32 $0xFFFFFFFF  }
0xa6: {  	s26 =	simm.s32 $execute0_lowered;
	[smem:$0x3FD2] =	sst s25  }
0xa7: {  	s6 =	sshll.u32 s26, $0x1;
	_ =	strace $0x80000046;
	[dreg:$0x1] =	wrdreg $0xFFFFFFFF  }
0xa8: {  	s28 =	simm.s32 $_size_execute0_lowered;
	s4 =	sadd.s32 s4, s6;
	[dreg:$0x0] =	wrdreg $0x0  }
0xa9: {  	s6 =	sshll.u32 s28, $0x1;
	[dreg:$0x2] =	wrdreg s4  }
0xaa: {  	[dreg:$0x3] =	wrdreg s6  }
0xab: {  	[dreg:$0x4] =	wrdreg $0xC0  }
0xac: {  	_ =	task [dreg:s8], $0x5FFFF  }
0xad: {  	[dreg:$0x1] =	wrdreg $0xFFFFFFFF  }
0xae: {  	[dreg:$0x0] =	wrdreg $0x60  }
0xaf: {  	[dreg:$0x2] =	wrdreg s24  }
0xb0: {  	[dreg:$0x3] =	wrdreg s18  }
0xb1: {  	[dreg:$0x4] =	wrdreg s2  }
0xb2: {  	[dreg:$0x5] =	wrdreg $0x9D000  }
0xb3: {  	[dreg:$0x6] =	wrdreg $0x9  }
0xb4: {  	_ =	task.clear_ibuf [dreg:s8], $0x7FFFF;
	_ =	strace $0x90000046  }
0xb5: {  	s29 =	simm.s32 $0x9;
	_ =	strace $0x80000048  }
0xb6: {  	_ =	swait.ge [sflag:s29], $0x1  }
0xb7: {  	[sflag:s29] =	ssyncadd.s32 $0xFFFFFFFF  }
0xb8: {  	_ =	strace $0x90000048  }
0xb9: {  	_ =	sfence  }
0xba: {  	s30 =	sld [smem:$0x0];
	_ =	sdelay $0x2  }
0xbb: {  	s31 =	sshll.u32 s1, $0xD;
	s1 =	sshrl.u32 s1, $0x2  }
0xbc: {  	s3 =	sand.u32 $0x4000, s31;
	s1 =	sadd.s32 s1, s30  }
0xbd: {  	s0 =	sor.u32 s3, s0;
	s1 =	sshll.u32 s1, $0x11  }
0xbe: {  	s0 =	sor.u32 s1, s0  }
0xbf: {  	s0 =	sadd.s32 $0x8F2B, s0  }
0xc0: {  	[sflag:s0] =	ssyncadd.remote.s32 $0x1  }
0xc1: {  	_ =	sfence.sel $0xFFFF  }
0xc2: {  	[dreg:$0x0] =	wrdreg $0xFFFFFFFF;
	(pc) =	sbr.abs _section_cstart, $3  }
0xc3: {  	[dreg:$0x1] =	wrdreg $0xFFFFFFFF  }
0xc4: {  	_ =	task.clear_ibuf [dreg:s8], $0x2FFFF;
	_ =	strace $0x9FFFFFFF  }
0xc5: {  	(tm) =	ssettm $0x7FFFFFFF  }
tec
execute0_lowered:
.L_overlay_start_1:
0x0: {  	(tag) =	ssettag $0x1  }
0x1: {  	s0 =	srdreg.scid;
	s22 =	stileid.u32  }
0x2: {  	s4 =	sand.u32 $0x1, s0;
	s10 =	smul.u32 $0x280, s22  }
0x3: {  	s2 =	rddreg [dreg:$0x0];
	s1 =	ssub.s32 $0x2, s4;
	s12 =	smul.u32 $0x140000, s4  }
0x4: {  	s5 =	sadd.s32 $0xB000, s2;
	s25 =	smul.u32 $0x7D0, s4;
	s3 =	sshrl.u32 s1, $0x1  }
0x5: {  	s6 =	sshrl.u32 s10, $0x3;
	s11 =	sor.u32 $0x40, s10;
	s13 =	sadd.s32 $0x80, s10  }
0x6: {  	s14 =	sadd.s32 $0xC0, s10;
	s15 =	sadd.s32 $0x100, s10;
	s16 =	sadd.s32 $0x140, s10  }
0x7: {  	s0 =	sadd.s32 $0x240, s10;
	s3 =	ssub.s32 s1, s3;
	s1 =	sadd.s32 s5, s6  }
0x8: {  	s17 =	sshrl.u32 s11, $0x3;
	s18 =	sshrl.u32 s13, $0x3;
	s19 =	sshrl.u32 s14, $0x3  }
0x9: {  	s20 =	sshrl.u32 s15, $0x3;
	s21 =	sshrl.u32 s16, $0x3;
	s11 =	sshll.u32 s11, $0x7  }
0xa: {  	s13 =	sshll.u32 s13, $0x7;
	s14 =	sshll.u32 s14, $0x7;
	s15 =	sshll.u32 s15, $0x7  }
0xb: {  	s16 =	sshll.u32 s16, $0x7;
	s6 =	sadd.s32 s5, s17;
	s17 =	sadd.s32 $0x180, s10  }
0xc: {  	s11 =	sadd.s32 s12, s11;
	s13 =	sadd.s32 s12, s13;
	s14 =	sadd.s32 s12, s14  }
0xd: {  	s15 =	sadd.s32 s12, s15;
	s16 =	sadd.s32 s12, s16;
	[dreg:$0x5] =	wrdreg s6  }
0xe: {  	s6 =	sadd.s32 s5, s18;
	s7 =	sshrl.u32 s17, $0x3;
	s18 =	sadd.s32 $0x1C0, s10  }
0xf: {  	s17 =	sshll.u32 s17, $0x7;
	s11 =	sshrl.u32 s11, $0x3;
	s13 =	sshrl.u32 s13, $0x3  }
0x10: {  	[dreg:$0x6] =	wrdreg s6;
	s6 =	sadd.s32 s5, s19;
	s23 =	sadd.s32 s5, s7  }
0x11: {  	s8 =	sshrl.u32 s18, $0x3;
	s19 =	sadd.s32 $0x200, s10;
	s10 =	sshrl.u32 s0, $0x3  }
0x12: {  	s17 =	sadd.s32 s12, s17;
	s18 =	sshll.u32 s18, $0x7;
	[dreg:$0x7] =	wrdreg s6  }
0x13: {  	s0 =	sshll.u32 s0, $0x7;
	s6 =	sadd.s32 s5, s20;
	[dreg:$0xa] =	wrdreg s23  }
0x14: {  	s9 =	sshrl.u32 s19, $0x3;
	s20 =	smul.u32 $0x14000, s22;
	s8 =	sadd.s32 s5, s8  }
0x15: {  	s19 =	sshll.u32 s19, $0x7;
	s18 =	sadd.s32 s12, s18;
	s0 =	sadd.s32 s12, s0  }
0x16: {  	[dreg:$0x8] =	wrdreg s6;
	s6 =	sadd.s32 s5, s21;
	s24 =	sadd.s32 s5, s9  }
0x17: {  	s5 =	sadd.s32 s5, s10;
	s19 =	sadd.s32 s12, s19;
	[dreg:$0x9] =	wrdreg s6  }
0x18: {  	[dreg:$0xb] =	wrdreg s24;
	s20 =	sadd.s32 s12, s20;
	s12 =	sadd.s32 $0xC000, s2  }
0x19: {  	s14 =	sshrl.u32 s14, $0x3;
	[smem:$0x7F8] =	sst s5;
	s7 =	sadd.s32 s12, s11  }
0x1a: {  	s15 =	sshrl.u32 s15, $0x3;
	s9 =	sadd.s32 s12, s13;
	[dreg:$0xd] =	wrdreg s7  }
0x1b: {  	s16 =	sshrl.u32 s16, $0x3;
	s10 =	sadd.s32 s12, s14;
	[dreg:$0xe] =	wrdreg s9  }
0x1c: {  	s17 =	sshrl.u32 s17, $0x3;
	s23 =	sadd.s32 s12, s15;
	[dreg:$0xf] =	wrdreg s10  }
0x1d: {  	s21 =	sadd.s32 $0x5C000, s2;
	s24 =	sadd.s32 s12, s16;
	[dreg:$0x10] =	wrdreg s23  }
0x1e: {  	s5 =	sor.u32 s22, s25;
	s25 =	sadd.s32 s12, s17;
	[dreg:$0x11] =	wrdreg s24  }
0x1f: {  	s13 =	sadd.s32 s21, s13;
	[dreg:$0x12] =	wrdreg s25  }
0x20: {  	s14 =	sadd.s32 s21, s14;
	[dreg:$0x18] =	wrdreg s13  }
0x21: {  	s15 =	sadd.s32 s21, s15;
	[dreg:$0x19] =	wrdreg s14  }
0x22: {  	s16 =	sadd.s32 s21, s16;
	[dreg:$0x1a] =	wrdreg s15  }
0x23: {  	s20 =	sshrl.u32 s20, $0x3;
	[dreg:$0x1b] =	wrdreg s16  }
0x24: {  	s19 =	sshrl.u32 s19, $0x3;
	s26 =	sadd.s32 s12, s20;
	s15 =	rddreg [dreg:$0x2]  }
0x25: {  	s0 =	sshrl.u32 s0, $0x3;
	s7 =	sadd.s32 s12, s19;
	[dreg:$0xc] =	wrdreg s26  }
0x26: {  	s28 =	simm.s32 $0x5200;
	s9 =	sadd.s32 s12, s0;
	[dreg:$0x14] =	wrdreg s7  }
0x27: {  	s30 =	simm.s32 $0x9C80;
	s10 =	sadd.s32 s21, s20;
	[dreg:$0x15] =	wrdreg s9  }
0x28: {  	s18 =	sshrl.u32 s18, $0x3;
	s23 =	sadd.s32 s21, s17;
	[dreg:$0x16] =	wrdreg s10  }
0x29: {  	s31 =	simm.s32 $0x40;
	s24 =	sadd.s32 s21, s18;
	[dreg:$0x1c] =	wrdreg s23  }
0x2a: {  	s4 =	smul.u32 $0x4E20, s4;
	s25 =	sadd.s32 s21, s19;
	[dreg:$0x1d] =	wrdreg s24  }
0x2b: {  	s22 =	smul.u32 $0xA, s22;
	s0 =	sadd.s32 s21, s0;
	[dreg:$0x1e] =	wrdreg s25  }
0x2c: {  	s29 =	simm.s32 $0x2A00;
	s20 =	smul.u32 $0x50, s5;
	[dreg:$0x1f] =	wrdreg s0  }
0x2d: {  	s6 =	simm.s32 $0x9A00;
	s5 =	smul.u32 $0xA, s5;
	s7 =	rddreg [dreg:$0x1]  }
0x2e: {  	s14 =	simm.s32 $0x50;
	s26 =	sadd.s32 s12, s18;
	s18 =	rddreg [dreg:$0x3]  }
0x2f: {  	s12 =	sadd.s32 s21, s11;
	s0 =	simm.s32 $0x0;
	[dreg:$0x13] =	wrdreg s26  }
0x30: {  	s10 =	sadd.s32 $0x1200, s2;
	s24 =	sadd.s32 $0xBA00, s2;
	[dreg:$0x17] =	wrdreg s12  }
0x31: {  	s26 =	sshrl.u32 s20, $0x3;
	[smem:$0x7FF] =	sst s0;
	s13 =	sadd.s32 s7, s5  }
0x32: {  	s21 =	sadd.s32 s10, s5;
	s5 =	sadd.s32 $0x4D80, s5;
	s23 =	sadd.s32 s4, s7  }
0x33: {  	s4 =	sadd.s32 s4, s10;
	s9 =	sadd.s32 $0xA0, s26;
	s12 =	sadd.s32 s7, s26  }
0x34: {  	[smem:$0x7FA] =	sst s21;
	s16 =	sadd.s32 s7, s5;
	s17 =	sadd.s32 s10, s5  }
0x35: {  	s19 =	sadd.s32 s22, s23;
	s26 =	smax.u32 s3, $0x1;
	s21 =	simm.s32 $0x200  }
0x36: {  	s23 =	simm.s32 $0x180;
	s3 =	simm.s32 $0x2;
	s20 =	sadd.s32 s10, s9  }
0x37: {  	s11 =	sadd.s32 s7, s9;
	s25 =	sadd.s32 $0x4D80, s12;
	[smem:$0x7F9] =	sst s20  }
0x38: {  	s12 =	simm.s32 $0x80;
	_ =	strace $0x80000047;
	[smem:$0x7FB] =	sst s24  }
0x39: {  	s20 =	sadd.s32 s22, s4;
	s22 =	sadd.s32 $0xB600, s2;
	[smem:$0x7FC] =	sst s25  }
0x3a: {  	s2 =	simm.s32 $0x1;
	s4 =	simm.s32 $0x0;
	[smem:$0x7FD] =	sst s26  }
0x3b: {  	s25 =	simm.s32 $0x7A00;
	s26 =	simm.s32 $0x3;
	s24 =	simm.s32 $0x100  }
.LBB2_1:
0x3c: {  	[tilespmem:s25], [sflag:$0x3] =	stream.linear.gather [hbm4b:s22+s0], $0x2000, $0x38;
	[tilespmem:$0x1DD00] =	vst v63  }
0x3d: {  	_ =	swait.ge [sflag:s26], $0x2000  }
0x3e: {  	s5 =	sld [smem:$0x7FB]  }
0x3f: {  	[sflag:s26] =	ssyncset.done $0x0  }
0x40: {  	[sflag:s26] =	ssyncadd.s32 $0xFFFFE000  }
0x41: {  	[tilespmem:s28], [sflag:$0x3] =	stream.linear.gather [hbm4b:s5+s0], $0x2800, $0x38;
	[tilespmem:$0x1DD00] =	vst v63  }
0x42: {  	_ =	swait.ge [sflag:s26], $0x2800  }
0x43: {  	[sflag:s26] =	ssyncset.done $0x0  }
0x44: {  	[sflag:s26] =	ssyncadd.s32 $0xFFFFD800  }
0x45: {  	[tilespmem:s6], [sflag:$0x3] =	stream.linear.gather [hbm4b:s1+s0], $0x280, $0x38;
	[tilespmem:$0x1DD00] =	vst v63  }
0x46: {  	_ =	swait.ge [sflag:s26], $0x280  }
0x47: {  	[sflag:s26] =	ssyncset.done $0x0  }
0x48: {  	[sflag:s26] =	ssyncadd.s32 $0xFFFFFD80  }
0x49: {  	[tilespmem:s30], [sflag:$0x3] =	stream.linear.gather [hbm4b:s1+s0], $0x40, $0x38;
	[tilespmem:$0x1DD00] =	vst v63  }
0x4a: {  	_ =	swait.ge [sflag:s26], $0x40  }
0x4b: {  	[sflag:s26] =	ssyncset.done $0x0  }
0x4c: {  	[sflag:s26] =	ssyncadd.s32 $0xFFFFFFC0  }
0x4d: {  	[spmem:s18] =	stream.indirect.scatter [tilespmem:s25], [sflag:$0x3], $0x80, s30, s31, $0xb8;
	[tilespmem:$0x1DD00] =	vst v63  }
0x4e: {  	_ =	swait.ge [sflag:s26], $0x2000  }
0x4f: {  	[sflag:s26] =	ssyncset.done $0x0  }
0x50: {  	s6 =	rddreg [dreg:$0x5];
	[sflag:s26] =	ssyncadd.s32 $0xFFFFE000  }
0x51: {  	[tilespmem:s30], [sflag:$0x3] =	stream.linear.gather [hbm4b:s6+s0], $0x40, $0x38;
	[tilespmem:$0x1DD00] =	vst v63  }
0x52: {  	_ =	swait.ge [sflag:s26], $0x40  }
0x53: {  	[sflag:s26] =	ssyncset.done $0x0  }
0x54: {  	[sflag:s26] =	ssyncadd.s32 $0xFFFFFFC0  }
0x55: {  	[spmem:s18] =	stream.indirect.scatter [tilespmem:s25], [sflag:$0x3], $0x80, s30, s31, $0xb8;
	[tilespmem:$0x1DD00] =	vst v63  }
0x56: {  	_ =	swait.ge [sflag:s26], $0x2000  }
0x57: {  	[sflag:s26] =	ssyncset.done $0x0  }
0x58: {  	s7 =	rddreg [dreg:$0x6];
	[sflag:s26] =	ssyncadd.s32 $0xFFFFE000  }
0x59: {  	[tilespmem:s30], [sflag:$0x3] =	stream.linear.gather [hbm4b:s7+s0], $0x40, $0x38;
	[tilespmem:$0x1DD00] =	vst v63  }
0x5a: {  	_ =	swait.ge [sflag:s26], $0x40  }
0x5b: {  	[sflag:s26] =	ssyncset.done $0x0  }
0x5c: {  	[sflag:s26] =	ssyncadd.s32 $0xFFFFFFC0  }
0x5d: {  	[spmem:s18] =	stream.indirect.scatter [tilespmem:s25], [sflag:$0x3], $0x80, s30, s31, $0xb8;
	[tilespmem:$0x1DD00] =	vst v63  }
0x5e: {  	_ =	swait.ge [sflag:s26], $0x2000  }
0x5f: {  	[sflag:s26] =	ssyncset.done $0x0  }
0x60: {  	s9 =	rddreg [dreg:$0x7];
	[sflag:s26] =	ssyncadd.s32 $0xFFFFE000  }
0x61: {  	[tilespmem:s30], [sflag:$0x3] =	stream.linear.gather [hbm4b:s9+s0], $0x40, $0x38;
	[tilespmem:$0x1DD00] =	vst v63  }
0x62: {  	_ =	swait.ge [sflag:s26], $0x40  }
0x63: {  	[sflag:s26] =	ssyncset.done $0x0  }
0x64: {  	[sflag:s26] =	ssyncadd.s32 $0xFFFFFFC0  }
0x65: {  	[spmem:s18] =	stream.indirect.scatter [tilespmem:s25], [sflag:$0x3], $0x80, s30, s31, $0xb8;
	[tilespmem:$0x1DD00] =	vst v63  }
0x66: {  	_ =	swait.ge [sflag:s26], $0x2000  }
0x67: {  	[sflag:s26] =	ssyncset.done $0x0  }
0x68: {  	s6 =	rddreg [dreg:$0x8];
	[sflag:s26] =	ssyncadd.s32 $0xFFFFE000  }
0x69: {  	[tilespmem:s30], [sflag:$0x3] =	stream.linear.gather [hbm4b:s6+s0], $0x40, $0x38;
	[tilespmem:$0x1DD00] =	vst v63  }
0x6a: {  	_ =	swait.ge [sflag:s26], $0x40  }
0x6b: {  	[sflag:s26] =	ssyncset.done $0x0  }
0x6c: {  	[sflag:s26] =	ssyncadd.s32 $0xFFFFFFC0  }
0x6d: {  	[spmem:s18] =	stream.indirect.scatter [tilespmem:s25], [sflag:$0x3], $0x80, s30, s31, $0xb8;
	[tilespmem:$0x1DD00] =	vst v63  }
0x6e: {  	_ =	swait.ge [sflag:s26], $0x2000  }
0x6f: {  	[sflag:s26] =	ssyncset.done $0x0  }
0x70: {  	s7 =	rddreg [dreg:$0x9];
	[sflag:s26] =	ssyncadd.s32 $0xFFFFE000  }
0x71: {  	[tilespmem:s30], [sflag:$0x3] =	stream.linear.gather [hbm4b:s7+s0], $0x40, $0x38;
	[tilespmem:$0x1DD00] =	vst v63  }
0x72: {  	_ =	swait.ge [sflag:s26], $0x40  }
0x73: {  	[sflag:s26] =	ssyncset.done $0x0  }
0x74: {  	[sflag:s26] =	ssyncadd.s32 $0xFFFFFFC0  }
0x75: {  	[spmem:s18] =	stream.indirect.scatter [tilespmem:s25], [sflag:$0x3], $0x80, s30, s31, $0xb8;
	[tilespmem:$0x1DD00] =	vst v63  }
0x76: {  	_ =	swait.ge [sflag:s26], $0x2000  }
0x77: {  	[sflag:s26] =	ssyncset.done $0x0  }
0x78: {  	s9 =	rddreg [dreg:$0xa];
	[sflag:s26] =	ssyncadd.s32 $0xFFFFE000  }
0x79: {  	[tilespmem:s30], [sflag:$0x3] =	stream.linear.gather [hbm4b:s9+s0], $0x40, $0x38;
	[tilespmem:$0x1DD00] =	vst v63  }
0x7a: {  	_ =	swait.ge [sflag:s26], $0x40  }
0x7b: {  	[sflag:s26] =	ssyncset.done $0x0  }
0x7c: {  	[sflag:s26] =	ssyncadd.s32 $0xFFFFFFC0  }
0x7d: {  	[spmem:s18] =	stream.indirect.scatter [tilespmem:s25], [sflag:$0x3], $0x80, s30, s31, $0xb8;
	[tilespmem:$0x1DD00] =	vst v63  }
0x7e: {  	_ =	swait.ge [sflag:s26], $0x2000  }
0x7f: {  	[sflag:s26] =	ssyncset.done $0x0  }
0x80: {  	[sflag:s26] =	ssyncadd.s32 $0xFFFFE000  }
0x81: {  	[tilespmem:s30], [sflag:$0x3] =	stream.linear.gather [hbm4b:s8+s0], $0x40, $0x38;
	[tilespmem:$0x1DD00] =	vst v63  }
0x82: {  	_ =	swait.ge [sflag:s26], $0x40  }
0x83: {  	[sflag:s26] =	ssyncset.done $0x0  }
0x84: {  	[sflag:s26] =	ssyncadd.s32 $0xFFFFFFC0  }
0x85: {  	[spmem:s18] =	stream.indirect.scatter [tilespmem:s25], [sflag:$0x3], $0x80, s30, s31, $0xb8;
	[tilespmem:$0x1DD00] =	vst v63  }
0x86: {  	_ =	swait.ge [sflag:s26], $0x2000  }
0x87: {  	[sflag:s26] =	ssyncset.done $0x0  }
0x88: {  	s6 =	rddreg [dreg:$0xb];
	[sflag:s26] =	ssyncadd.s32 $0xFFFFE000  }
0x89: {  	[tilespmem:s30], [sflag:$0x3] =	stream.linear.gather [hbm4b:s6+s0], $0x40, $0x38;
	[tilespmem:$0x1DD00] =	vst v63  }
0x8a: {  	_ =	swait.ge [sflag:s26], $0x40  }
0x8b: {  	[sflag:s26] =	ssyncset.done $0x0  }
0x8c: {  	[sflag:s26] =	ssyncadd.s32 $0xFFFFFFC0  }
0x8d: {  	[spmem:s18] =	stream.indirect.scatter [tilespmem:s25], [sflag:$0x3], $0x80, s30, s31, $0xb8;
	[tilespmem:$0x1DD00] =	vst v63  }
0x8e: {  	_ =	swait.ge [sflag:s26], $0x2000  }
0x8f: {  	s7 =	sld [smem:$0x7F8]  }
0x90: {  	[sflag:s26] =	ssyncset.done $0x0  }
0x91: {  	[sflag:s26] =	ssyncadd.s32 $0xFFFFE000  }
0x92: {  	[tilespmem:s30], [sflag:$0x3] =	stream.linear.gather [hbm4b:s7+s0], $0x40, $0x38;
	[tilespmem:$0x1DD00] =	vst v63  }
0x93: {  	_ =	swait.ge [sflag:s26], $0x40  }
0x94: {  	[sflag:s26] =	ssyncset.done $0x0  }
0x95: {  	[sflag:s26] =	ssyncadd.s32 $0xFFFFFFC0  }
0x96: {  	[spmem:s18] =	stream.indirect.scatter [tilespmem:s25], [sflag:$0x3], $0x80, s30, s31, $0xb8;
	[tilespmem:$0x1DD00] =	vst v63  }
0x97: {  	_ =	swait.ge [sflag:s26], $0x2000  }
0x98: {  	[sflag:s26] =	ssyncset.done $0x0  }
0x99: {  	[sflag:s26] =	ssyncadd.s32 $0xFFFFE000  }
0x9a: {  	[bflag:$0x0] =	sbarrier.arrive $0xFFFF  }
0x9b: {  	[tilespmem:s12], [sflag:$0x3] =	stream.linear.gather [hbm4b:s13+s0], $0x50, $0x38;
	[tilespmem:$0x1DD00] =	vst v63  }
0x9c: {  	_ =	swait.ge [sflag:s26], $0x50  }
0x9d: {  	s9 =	smov.u32 s8;
	s8 =	sld [smem:$0x7FA]  }
0x9e: {  	[sflag:s26] =	ssyncset.done $0x0  }
0x9f: {  	[sflag:s26] =	ssyncadd.s32 $0xFFFFFFB0  }
0xa0: {  	[tilespmem:s0], [sflag:$0x3] =	stream.linear.gather [hbm4b:s8+s0], $0x50, $0x38;
	[tilespmem:$0x1DD00] =	vst v63  }
0xa1: {  	_ =	swait.ge [sflag:s26], $0x50  }
0xa2: {  	[sflag:s26] =	ssyncset.done $0x0  }
0xa3: {  	[sflag:s26] =	ssyncadd.s32 $0xFFFFFFB0  }
0xa4: {  	[tilespmem:s21], [sflag:$0x1] =	stream.indirect.gather [hbm4b:s15+s14], $0x80, s0, s14, $0xb8;
	[tilespmem:$0x1DD00] =	vst v63  }
0xa5: {  	_ = 	snop  }
0xa6: {  	[tilespmem:s23], [sflag:$0x3] =	stream.linear.gather [hbm4b:s11+s0], $0x50, $0x38;
	[tilespmem:$0x1DD00] =	vst v63  }
0xa7: {  	_ =	swait.ge [sflag:s26], $0x50  }
0xa8: {  	s6 =	sld [smem:$0x7F9]  }
0xa9: {  	[sflag:s26] =	ssyncset.done $0x0  }
0xaa: {  	[sflag:s26] =	ssyncadd.s32 $0xFFFFFFB0  }
0xab: {  	[tilespmem:s24], [sflag:$0x3] =	stream.linear.gather [hbm4b:s6+s0], $0x50, $0x38;
	[tilespmem:$0x1DD00] =	vst v63  }
0xac: {  	_ =	swait.ge [sflag:s26], $0x50  }
0xad: {  	[sflag:s26] =	ssyncset.done $0x0  }
0xae: {  	[sflag:s26] =	ssyncadd.s32 $0xFFFFFFB0  }
0xaf: {  	[tilespmem:s29], [sflag:$0x2] =	stream.indirect.gather [hbm4b:s15+s14], $0x80, s24, s14, $0xb8;
	[tilespmem:$0x1DD00] =	vst v63  }
0xb0: {  	_ =	swait.ge [sflag:s2], $0x2800  }
0xb1: {  	[sflag:s2] =	ssyncset.done $0x0  }
0xb2: {  	[sflag:s2] =	ssyncadd.s32 $0xFFFFD800  }
0xb3: {  	[spmem:s18] =	stream.indirect.scatter.add.f32 [tilespmem:s21], [sflag:$0x3], $0x80, s12, s14, $0xb8;
	[tilespmem:$0x1DD00] =	vst v63  }
0xb4: {  	_ =	swait.ge [sflag:s26], $0x2800  }
0xb5: {  	s5 =	sadd.s32 $0x0, s19;
	[sflag:s26] =	ssyncset.done $0x0  }
0xb6: {  	s7 =	sadd.s32 $0x140, s5;
	[sflag:s26] =	ssyncadd.s32 $0xFFFFD800  }
0xb7: {  	[tilespmem:s12], [sflag:$0x3] =	stream.linear.gather [hbm4b:s7+s0], $0x50, $0x38;
	[tilespmem:$0x1DD00] =	vst v63  }
0xb8: {  	_ =	swait.ge [sflag:s26], $0x50  }
0xb9: {  	s8 =	sadd.s32 $0x0, s20;
	[sflag:s26] =	ssyncset.done $0x0  }
0xba: {  	s7 =	sadd.s32 $0x140, s8;
	[sflag:s26] =	ssyncadd.s32 $0xFFFFFFB0  }
0xbb: {  	[tilespmem:s0], [sflag:$0x3] =	stream.linear.gather [hbm4b:s7+s0], $0x50, $0x38;
	[tilespmem:$0x1DD00] =	vst v63  }
0xbc: {  	_ =	swait.ge [sflag:s26], $0x50  }
0xbd: {  	[sflag:s26] =	ssyncset.done $0x0  }
0xbe: {  	[sflag:s26] =	ssyncadd.s32 $0xFFFFFFB0  }
0xbf: {  	[tilespmem:s21], [sflag:$0x1] =	stream.indirect.gather [hbm4b:s15+s14], $0x80, s0, s14, $0xb8;
	[tilespmem:$0x1DD00] =	vst v63  }
0xc0: {  	_ =	swait.ge [sflag:s3], $0x2800  }
0xc1: {  	[sflag:s3] =	ssyncset.done $0x0  }
0xc2: {  	[sflag:s3] =	ssyncadd.s32 $0xFFFFD800  }
0xc3: {  	[spmem:s18] =	stream.indirect.scatter.add.f32 [tilespmem:s29], [sflag:$0x3], $0x80, s23, s14, $0xb8;
	[tilespmem:$0x1DD00] =	vst v63  }
0xc4: {  	_ =	swait.ge [sflag:s26], $0x2800  }
0xc5: {  	[sflag:s26] =	ssyncset.done $0x0  }
0xc6: {  	s5 =	sadd.s32 $0x1E0, s5;
	[sflag:s26] =	ssyncadd.s32 $0xFFFFD800  }
0xc7: {  	[tilespmem:s23], [sflag:$0x3] =	stream.linear.gather [hbm4b:s5+s0], $0x50, $0x38;
	[tilespmem:$0x1DD00] =	vst v63  }
0xc8: {  	_ =	swait.ge [sflag:s26], $0x50  }
0xc9: {  	[sflag:s26] =	ssyncset.done $0x0  }
0xca: {  	s8 =	sadd.s32 $0x1E0, s8;
	[sflag:s26] =	ssyncadd.s32 $0xFFFFFFB0  }
0xcb: {  	[tilespmem:s24], [sflag:$0x3] =	stream.linear.gather [hbm4b:s8+s0], $0x50, $0x38;
	[tilespmem:$0x1DD00] =	vst v63  }
0xcc: {  	_ =	swait.ge [sflag:s26], $0x50  }
0xcd: {  	[sflag:s26] =	ssyncset.done $0x0  }
0xce: {  	s10 =	simm.s32 $0x9A00;
	s5 =	simm.s32 $0x140;
	[sflag:s26] =	ssyncadd.s32 $0xFFFFFFB0  }
.LBB2_2:
0xcf: {  	[tilespmem:s29], [sflag:$0x2] =	stream.indirect.gather [hbm4b:s15+s14], $0x80, s24, s14, $0xb8;
	[tilespmem:$0x1DD00] =	vst v63  }
0xd0: {  	s6 =	smov.u32 s5  }
0xd1: {  	p0 =	sne.s32 s5, $0x4B00;
	s5 =	sadd.s32 $0x140, s5;
	_ =	swait.ge [sflag:s2], $0x2800  }
0xd2: {  	[sflag:s2] =	ssyncset.done $0x0  }
0xd3: {  	[sflag:s2] =	ssyncadd.s32 $0xFFFFD800  }
0xd4: {  	[spmem:s18] =	stream.indirect.scatter.add.f32 [tilespmem:s21], [sflag:$0x3], $0x80, s12, s14, $0xb8;
	[tilespmem:$0x1DD00] =	vst v63  }
0xd5: {  	_ =	swait.ge [sflag:s26], $0x2800  }
0xd6: {  	s7 =	sadd.s32 s6, s19;
	[sflag:s26] =	ssyncset.done $0x0  }
0xd7: {  	s8 =	sadd.s32 $0x140, s7;
	[sflag:s26] =	ssyncadd.s32 $0xFFFFD800  }
0xd8: {  	[tilespmem:s12], [sflag:$0x3] =	stream.linear.gather [hbm4b:s8+s0], $0x50, $0x38;
	[tilespmem:$0x1DD00] =	vst v63  }
0xd9: {  	_ =	swait.ge [sflag:s26], $0x50  }
0xda: {  	s6 =	sadd.s32 s6, s20;
	[sflag:s26] =	ssyncset.done $0x0  }
0xdb: {  	s8 =	sadd.s32 $0x140, s6;
	[sflag:s26] =	ssyncadd.s32 $0xFFFFFFB0  }
0xdc: {  	[tilespmem:s0], [sflag:$0x3] =	stream.linear.gather [hbm4b:s8+s0], $0x50, $0x38;
	[tilespmem:$0x1DD00] =	vst v63  }
0xdd: {  	_ =	swait.ge [sflag:s26], $0x50  }
0xde: {  	[sflag:s26] =	ssyncset.done $0x0  }
0xdf: {  	[sflag:s26] =	ssyncadd.s32 $0xFFFFFFB0  }
0xe0: {  	[tilespmem:s21], [sflag:$0x1] =	stream.indirect.gather [hbm4b:s15+s14], $0x80, s0, s14, $0xb8;
	[tilespmem:$0x1DD00] =	vst v63  }
0xe1: {  	_ =	swait.ge [sflag:s3], $0x2800  }
0xe2: {  	[sflag:s3] =	ssyncset.done $0x0  }
0xe3: {  	[sflag:s3] =	ssyncadd.s32 $0xFFFFD800  }
0xe4: {  	[spmem:s18] =	stream.indirect.scatter.add.f32 [tilespmem:s29], [sflag:$0x3], $0x80, s23, s14, $0xb8;
	[tilespmem:$0x1DD00] =	vst v63  }
0xe5: {  	_ =	swait.ge [sflag:s26], $0x2800  }
0xe6: {  	[sflag:s26] =	ssyncset.done $0x0  }
0xe7: {  	s7 =	sadd.s32 $0x1E0, s7;
	[sflag:s26] =	ssyncadd.s32 $0xFFFFD800  }
0xe8: {  	[tilespmem:s23], [sflag:$0x3] =	stream.linear.gather [hbm4b:s7+s0], $0x50, $0x38;
	[tilespmem:$0x1DD00] =	vst v63  }
0xe9: {  	_ =	swait.ge [sflag:s26], $0x50  }
0xea: {  	[sflag:s26] =	ssyncset.done $0x0  }
.Ltmp0:
0xeb: {  	s6 =	sadd.s32 $0x1E0, s6;
	[sflag:s26] =	ssyncadd.s32 $0xFFFFFFB0;
	(pc) =	sbr.rel @p0 .LBB2_2-.Ltmp0, $4  }
0xec: {  	[tilespmem:s24], [sflag:$0x3] =	stream.linear.gather [hbm4b:s6+s0], $0x50, $0x38;
	[tilespmem:$0x1DD00] =	vst v63  }
0xed: {  	_ =	swait.ge [sflag:s26], $0x50  }
0xee: {  	[sflag:s26] =	ssyncset.done $0x0  }
0xef: {  	[sflag:s26] =	ssyncadd.s32 $0xFFFFFFB0  }
0xf0: {  	[tilespmem:s29], [sflag:$0x2] =	stream.indirect.gather [hbm4b:s15+s14], $0x80, s24, s14, $0xb8;
	[tilespmem:$0x1DD00] =	vst v63  }
0xf1: {  	_ =	swait.ge [sflag:s2], $0x2800  }
0xf2: {  	[sflag:s2] =	ssyncset.done $0x0  }
0xf3: {  	[sflag:s2] =	ssyncadd.s32 $0xFFFFD800  }
0xf4: {  	[spmem:s18] =	stream.indirect.scatter.add.f32 [tilespmem:s21], [sflag:$0x3], $0x80, s12, s14, $0xb8;
	[tilespmem:$0x1DD00] =	vst v63  }
0xf5: {  	_ =	swait.ge [sflag:s26], $0x2800  }
0xf6: {  	[sflag:s26] =	ssyncset.done $0x0  }
0xf7: {  	[sflag:s26] =	ssyncadd.s32 $0xFFFFD800  }
0xf8: {  	[tilespmem:s12], [sflag:$0x3] =	stream.linear.gather [hbm4b:s16+s0], $0x50, $0x38;
	[tilespmem:$0x1DD00] =	vst v63  }
0xf9: {  	_ =	swait.ge [sflag:s26], $0x50  }
0xfa: {  	[sflag:s26] =	ssyncset.done $0x0  }
0xfb: {  	[sflag:s26] =	ssyncadd.s32 $0xFFFFFFB0  }
0xfc: {  	[tilespmem:s0], [sflag:$0x3] =	stream.linear.gather [hbm4b:s17+s0], $0x50, $0x38;
	[tilespmem:$0x1DD00] =	vst v63  }
0xfd: {  	_ =	swait.ge [sflag:s26], $0x50  }
0xfe: {  	[sflag:s26] =	ssyncset.done $0x0  }
0xff: {  	[sflag:s26] =	ssyncadd.s32 $0xFFFFFFB0  }
0x100: {  	[tilespmem:s21], [sflag:$0x1] =	stream.indirect.gather [hbm4b:s15+s14], $0x80, s0, s14, $0xb8;
	[tilespmem:$0x1DD00] =	vst v63  }
0x101: {  	_ =	swait.ge [sflag:s3], $0x2800  }
0x102: {  	[sflag:s3] =	ssyncset.done $0x0  }
0x103: {  	[sflag:s3] =	ssyncadd.s32 $0xFFFFD800  }
0x104: {  	[spmem:s18] =	stream.indirect.scatter.add.f32 [tilespmem:s29], [sflag:$0x3], $0x80, s23, s14, $0xb8;
	[tilespmem:$0x1DD00] =	vst v63  }
0x105: {  	_ =	swait.ge [sflag:s26], $0x2800  }
0x106: {  	[sflag:s26] =	ssyncset.done $0x0  }
0x107: {  	[sflag:s26] =	ssyncadd.s32 $0xFFFFD800  }
0x108: {  	[tilespmem:s23], [sflag:$0x3] =	stream.linear.gather [hbm4b:s16+s0], $0x50, $0x38;
	[tilespmem:$0x1DD00] =	vst v63  }
0x109: {  	_ =	swait.ge [sflag:s26], $0x50  }
0x10a: {  	[sflag:s26] =	ssyncset.done $0x0  }
0x10b: {  	[sflag:s26] =	ssyncadd.s32 $0xFFFFFFB0  }
0x10c: {  	[tilespmem:s24], [sflag:$0x3] =	stream.linear.gather [hbm4b:s17+s0], $0x50, $0x38;
	[tilespmem:$0x1DD00] =	vst v63  }
0x10d: {  	_ =	swait.ge [sflag:s26], $0x50  }
0x10e: {  	[sflag:s26] =	ssyncset.done $0x0  }
0x10f: {  	[sflag:s26] =	ssyncadd.s32 $0xFFFFFFB0  }
0x110: {  	[tilespmem:s29], [sflag:$0x2] =	stream.indirect.gather [hbm4b:s15+s14], $0x80, s24, s14, $0xb8;
	[tilespmem:$0x1DD00] =	vst v63  }
0x111: {  	_ =	swait.ge [sflag:s2], $0x2800  }
0x112: {  	[sflag:s2] =	ssyncset.done $0x0  }
0x113: {  	[sflag:s2] =	ssyncadd.s32 $0xFFFFD800  }
0x114: {  	[spmem:s18] =	stream.indirect.scatter.add.f32 [tilespmem:s21], [sflag:$0x3], $0x80, s12, s14, $0xb8;
	[tilespmem:$0x1DD00] =	vst v63  }
0x115: {  	_ =	swait.ge [sflag:s26], $0x2800  }
0x116: {  	[sflag:s26] =	ssyncset.done $0x0  }
0x117: {  	[sflag:s26] =	ssyncadd.s32 $0xFFFFD800  }
0x118: {  	_ =	swait.ge [sflag:s3], $0x2800  }
0x119: {  	[sflag:s3] =	ssyncset.done $0x0  }
0x11a: {  	[sflag:s3] =	ssyncadd.s32 $0xFFFFD800  }
0x11b: {  	[bflag:$0x0] =	sbarrier.arrive $0xFFFF  }
0x11c: {  	[tilespmem:s25], [sflag:$0x1] =	stream.indirect.gather [spmem:s18], $0x80, s10, s31, $0xb8;
	[tilespmem:$0x1DD00] =	vst v63  }
0x11d: {  	_ =	swait.ge [sflag:s2], $0x2000  }
0x11e: {  	[sflag:s2] =	ssyncset.done $0x0  }
0x11f: {  	s5 =	rddreg [dreg:$0xc];
	[sflag:s2] =	ssyncadd.s32 $0xFFFFE000  }
0x120: {  	[hbm4b:s5+s0] =	stream.linear.scatter [tilespmem:s25], [sflag:$0x3], $0x2000, $0x38;
	[tilespmem:$0x1DD00] =	vst v63  }
0x121: {  	_ =	swait.ge [sflag:s26], $0x2000  }
0x122: {  	[sflag:s26] =	ssyncset.done $0x0  }
0x123: {  	s10 =	simm.s32 $0x9A40;
	[sflag:s26] =	ssyncadd.s32 $0xFFFFE000  }
0x124: {  	[tilespmem:s25], [sflag:$0x1] =	stream.indirect.gather [spmem:s18], $0x80, s10, s31, $0xb8;
	[tilespmem:$0x1DD00] =	vst v63  }
0x125: {  	_ =	swait.ge [sflag:s2], $0x2000  }
0x126: {  	[sflag:s2] =	ssyncset.done $0x0  }
0x127: {  	s7 =	rddreg [dreg:$0xd];
	[sflag:s2] =	ssyncadd.s32 $0xFFFFE000  }
0x128: {  	[hbm4b:s7+s0] =	stream.linear.scatter [tilespmem:s25], [sflag:$0x3], $0x2000, $0x38;
	[tilespmem:$0x1DD00] =	vst v63  }
0x129: {  	_ =	swait.ge [sflag:s26], $0x2000  }
0x12a: {  	[sflag:s26] =	ssyncset.done $0x0  }
0x12b: {  	s8 =	simm.s32 $0x9A80;
	[sflag:s26] =	ssyncadd.s32 $0xFFFFE000  }
0x12c: {  	[tilespmem:s25], [sflag:$0x1] =	stream.indirect.gather [spmem:s18], $0x80, s8, s31, $0xb8;
	[tilespmem:$0x1DD00] =	vst v63  }
0x12d: {  	_ =	swait.ge [sflag:s2], $0x2000  }
0x12e: {  	[sflag:s2] =	ssyncset.done $0x0  }
0x12f: {  	s6 =	rddreg [dreg:$0xe];
	[sflag:s2] =	ssyncadd.s32 $0xFFFFE000  }
0x130: {  	[hbm4b:s6+s0] =	stream.linear.scatter [tilespmem:s25], [sflag:$0x3], $0x2000, $0x38;
	[tilespmem:$0x1DD00] =	vst v63  }
0x131: {  	_ =	swait.ge [sflag:s26], $0x2000  }
0x132: {  	[sflag:s26] =	ssyncset.done $0x0  }
0x133: {  	s7 =	simm.s32 $0x9AC0;
	[sflag:s26] =	ssyncadd.s32 $0xFFFFE000  }
0x134: {  	[tilespmem:s25], [sflag:$0x1] =	stream.indirect.gather [spmem:s18], $0x80, s7, s31, $0xb8;
	[tilespmem:$0x1DD00] =	vst v63  }
0x135: {  	_ =	swait.ge [sflag:s2], $0x2000  }
0x136: {  	[sflag:s2] =	ssyncset.done $0x0  }
0x137: {  	s8 =	rddreg [dreg:$0xf];
	[sflag:s2] =	ssyncadd.s32 $0xFFFFE000  }
0x138: {  	[hbm4b:s8+s0] =	stream.linear.scatter [tilespmem:s25], [sflag:$0x3], $0x2000, $0x38;
	[tilespmem:$0x1DD00] =	vst v63  }
0x139: {  	_ =	swait.ge [sflag:s26], $0x2000  }
0x13a: {  	[sflag:s26] =	ssyncset.done $0x0  }
0x13b: {  	s6 =	simm.s32 $0x9B00;
	[sflag:s26] =	ssyncadd.s32 $0xFFFFE000  }
0x13c: {  	[tilespmem:s25], [sflag:$0x1] =	stream.indirect.gather [spmem:s18], $0x80, s6, s31, $0xb8;
	[tilespmem:$0x1DD00] =	vst v63  }
0x13d: {  	_ =	swait.ge [sflag:s2], $0x2000  }
0x13e: {  	[sflag:s2] =	ssyncset.done $0x0  }
0x13f: {  	s7 =	rddreg [dreg:$0x10];
	[sflag:s2] =	ssyncadd.s32 $0xFFFFE000  }
0x140: {  	[hbm4b:s7+s0] =	stream.linear.scatter [tilespmem:s25], [sflag:$0x3], $0x2000, $0x38;
	[tilespmem:$0x1DD00] =	vst v63  }
0x141: {  	_ =	swait.ge [sflag:s26], $0x2000  }
0x142: {  	[sflag:s26] =	ssyncset.done $0x0  }
0x143: {  	s8 =	simm.s32 $0x9B40;
	[sflag:s26] =	ssyncadd.s32 $0xFFFFE000  }
0x144: {  	[tilespmem:s25], [sflag:$0x1] =	stream.indirect.gather [spmem:s18], $0x80, s8, s31, $0xb8;
	[tilespmem:$0x1DD00] =	vst v63  }
0x145: {  	_ =	swait.ge [sflag:s2], $0x2000  }
0x146: {  	[sflag:s2] =	ssyncset.done $0x0  }
0x147: {  	s6 =	rddreg [dreg:$0x11];
	[sflag:s2] =	ssyncadd.s32 $0xFFFFE000  }
0x148: {  	[hbm4b:s6+s0] =	stream.linear.scatter [tilespmem:s25], [sflag:$0x3], $0x2000, $0x38;
	[tilespmem:$0x1DD00] =	vst v63  }
0x149: {  	_ =	swait.ge [sflag:s26], $0x2000  }
0x14a: {  	[sflag:s26] =	ssyncset.done $0x0  }
0x14b: {  	s7 =	simm.s32 $0x9B80;
	[sflag:s26] =	ssyncadd.s32 $0xFFFFE000  }
0x14c: {  	[tilespmem:s25], [sflag:$0x1] =	stream.indirect.gather [spmem:s18], $0x80, s7, s31, $0xb8;
	[tilespmem:$0x1DD00] =	vst v63  }
0x14d: {  	_ =	swait.ge [sflag:s2], $0x2000  }
0x14e: {  	[sflag:s2] =	ssyncset.done $0x0  }
0x14f: {  	s8 =	rddreg [dreg:$0x12];
	[sflag:s2] =	ssyncadd.s32 $0xFFFFE000  }
0x150: {  	[hbm4b:s8+s0] =	stream.linear.scatter [tilespmem:s25], [sflag:$0x3], $0x2000, $0x38;
	[tilespmem:$0x1DD00] =	vst v63  }
0x151: {  	_ =	swait.ge [sflag:s26], $0x2000  }
0x152: {  	[sflag:s26] =	ssyncset.done $0x0  }
0x153: {  	s6 =	simm.s32 $0x9BC0;
	[sflag:s26] =	ssyncadd.s32 $0xFFFFE000  }
0x154: {  	[tilespmem:s25], [sflag:$0x1] =	stream.indirect.gather [spmem:s18], $0x80, s6, s31, $0xb8;
	[tilespmem:$0x1DD00] =	vst v63  }
0x155: {  	_ =	swait.ge [sflag:s2], $0x2000  }
0x156: {  	[sflag:s2] =	ssyncset.done $0x0  }
0x157: {  	s7 =	rddreg [dreg:$0x13];
	[sflag:s2] =	ssyncadd.s32 $0xFFFFE000  }
0x158: {  	[hbm4b:s7+s0] =	stream.linear.scatter [tilespmem:s25], [sflag:$0x3], $0x2000, $0x38;
	[tilespmem:$0x1DD00] =	vst v63  }
0x159: {  	_ =	swait.ge [sflag:s26], $0x2000  }
0x15a: {  	[sflag:s26] =	ssyncset.done $0x0  }
0x15b: {  	s8 =	simm.s32 $0x9C00;
	[sflag:s26] =	ssyncadd.s32 $0xFFFFE000  }
0x15c: {  	[tilespmem:s25], [sflag:$0x1] =	stream.indirect.gather [spmem:s18], $0x80, s8, s31, $0xb8;
	[tilespmem:$0x1DD00] =	vst v63  }
0x15d: {  	_ =	swait.ge [sflag:s2], $0x2000  }
0x15e: {  	[sflag:s2] =	ssyncset.done $0x0  }
0x15f: {  	s6 =	rddreg [dreg:$0x14];
	[sflag:s2] =	ssyncadd.s32 $0xFFFFE000  }
0x160: {  	[hbm4b:s6+s0] =	stream.linear.scatter [tilespmem:s25], [sflag:$0x3], $0x2000, $0x38;
	[tilespmem:$0x1DD00] =	vst v63  }
0x161: {  	_ =	swait.ge [sflag:s26], $0x2000  }
0x162: {  	[sflag:s26] =	ssyncset.done $0x0  }
0x163: {  	s7 =	simm.s32 $0x9C40;
	[sflag:s26] =	ssyncadd.s32 $0xFFFFE000  }
0x164: {  	[tilespmem:s25], [sflag:$0x1] =	stream.indirect.gather [spmem:s18], $0x80, s7, s31, $0xb8;
	[tilespmem:$0x1DD00] =	vst v63  }
0x165: {  	_ =	swait.ge [sflag:s2], $0x2000  }
0x166: {  	[sflag:s2] =	ssyncset.done $0x0  }
0x167: {  	s8 =	rddreg [dreg:$0x15];
	[sflag:s2] =	ssyncadd.s32 $0xFFFFE000  }
0x168: {  	[hbm4b:s8+s0] =	stream.linear.scatter [tilespmem:s25], [sflag:$0x3], $0x2000, $0x38;
	[tilespmem:$0x1DD00] =	vst v63  }
0x169: {  	_ =	swait.ge [sflag:s26], $0x2000  }
0x16a: {  	[sflag:s26] =	ssyncset.done $0x0  }
0x16b: {  	[sflag:s26] =	ssyncadd.s32 $0xFFFFE000  }
0x16c: {  	[bflag:$0x0] =	sbarrier.arrive $0xFFFF  }
0x16d: {  	[tilespmem:s25], [sflag:$0x3] =	stream.linear.gather [hbm4b:s22+s0], $0x2000, $0x38;
	[tilespmem:$0x1DD00] =	vst v63  }
0x16e: {  	_ =	swait.ge [sflag:s26], $0x2000  }
0x16f: {  	[sflag:s26] =	ssyncset.done $0x0  }
0x170: {  	[sflag:s26] =	ssyncadd.s32 $0xFFFFE000  }
0x171: {  	[tilespmem:s30], [sflag:$0x3] =	stream.linear.gather [hbm4b:s1+s0], $0x40, $0x38;
	[tilespmem:$0x1DD00] =	vst v63  }
0x172: {  	_ =	swait.ge [sflag:s26], $0x40  }
0x173: {  	[sflag:s26] =	ssyncset.done $0x0  }
0x174: {  	[sflag:s26] =	ssyncadd.s32 $0xFFFFFFC0  }
0x175: {  	[spmem:s18] =	stream.indirect.scatter [tilespmem:s25], [sflag:$0x3], $0x80, s30, s31, $0xb8;
	[tilespmem:$0x1DD00] =	vst v63  }
0x176: {  	_ =	swait.ge [sflag:s26], $0x2000  }
0x177: {  	[sflag:s26] =	ssyncset.done $0x0  }
0x178: {  	s6 =	rddreg [dreg:$0x5];
	[sflag:s26] =	ssyncadd.s32 $0xFFFFE000  }
0x179: {  	[tilespmem:s30], [sflag:$0x3] =	stream.linear.gather [hbm4b:s6+s0], $0x40, $0x38;
	[tilespmem:$0x1DD00] =	vst v63  }
0x17a: {  	_ =	swait.ge [sflag:s26], $0x40  }
0x17b: {  	[sflag:s26] =	ssyncset.done $0x0  }
0x17c: {  	[sflag:s26] =	ssyncadd.s32 $0xFFFFFFC0  }
0x17d: {  	[spmem:s18] =	stream.indirect.scatter [tilespmem:s25], [sflag:$0x3], $0x80, s30, s31, $0xb8;
	[tilespmem:$0x1DD00] =	vst v63  }
0x17e: {  	_ =	swait.ge [sflag:s26], $0x2000  }
0x17f: {  	[sflag:s26] =	ssyncset.done $0x0  }
0x180: {  	s7 =	rddreg [dreg:$0x6];
	[sflag:s26] =	ssyncadd.s32 $0xFFFFE000  }
0x181: {  	[tilespmem:s30], [sflag:$0x3] =	stream.linear.gather [hbm4b:s7+s0], $0x40, $0x38;
	[tilespmem:$0x1DD00] =	vst v63  }
0x182: {  	_ =	swait.ge [sflag:s26], $0x40  }
0x183: {  	[sflag:s26] =	ssyncset.done $0x0  }
0x184: {  	[sflag:s26] =	ssyncadd.s32 $0xFFFFFFC0  }
0x185: {  	[spmem:s18] =	stream.indirect.scatter [tilespmem:s25], [sflag:$0x3], $0x80, s30, s31, $0xb8;
	[tilespmem:$0x1DD00] =	vst v63  }
0x186: {  	_ =	swait.ge [sflag:s26], $0x2000  }
0x187: {  	[sflag:s26] =	ssyncset.done $0x0  }
0x188: {  	s8 =	rddreg [dreg:$0x7];
	[sflag:s26] =	ssyncadd.s32 $0xFFFFE000  }
0x189: {  	[tilespmem:s30], [sflag:$0x3] =	stream.linear.gather [hbm4b:s8+s0], $0x40, $0x38;
	[tilespmem:$0x1DD00] =	vst v63  }
0x18a: {  	_ =	swait.ge [sflag:s26], $0x40  }
0x18b: {  	[sflag:s26] =	ssyncset.done $0x0  }
0x18c: {  	[sflag:s26] =	ssyncadd.s32 $0xFFFFFFC0  }
0x18d: {  	[spmem:s18] =	stream.indirect.scatter [tilespmem:s25], [sflag:$0x3], $0x80, s30, s31, $0xb8;
	[tilespmem:$0x1DD00] =	vst v63  }
0x18e: {  	_ =	swait.ge [sflag:s26], $0x2000  }
0x18f: {  	[sflag:s26] =	ssyncset.done $0x0  }
0x190: {  	s6 =	rddreg [dreg:$0x8];
	[sflag:s26] =	ssyncadd.s32 $0xFFFFE000  }
0x191: {  	[tilespmem:s30], [sflag:$0x3] =	stream.linear.gather [hbm4b:s6+s0], $0x40, $0x38;
	[tilespmem:$0x1DD00] =	vst v63  }
0x192: {  	_ =	swait.ge [sflag:s26], $0x40  }
0x193: {  	[sflag:s26] =	ssyncset.done $0x0  }
0x194: {  	[sflag:s26] =	ssyncadd.s32 $0xFFFFFFC0  }
0x195: {  	[spmem:s18] =	stream.indirect.scatter [tilespmem:s25], [sflag:$0x3], $0x80, s30, s31, $0xb8;
	[tilespmem:$0x1DD00] =	vst v63  }
0x196: {  	_ =	swait.ge [sflag:s26], $0x2000  }
0x197: {  	[sflag:s26] =	ssyncset.done $0x0  }
0x198: {  	s7 =	rddreg [dreg:$0x9];
	[sflag:s26] =	ssyncadd.s32 $0xFFFFE000  }
0x199: {  	[tilespmem:s30], [sflag:$0x3] =	stream.linear.gather [hbm4b:s7+s0], $0x40, $0x38;
	[tilespmem:$0x1DD00] =	vst v63  }
0x19a: {  	_ =	swait.ge [sflag:s26], $0x40  }
0x19b: {  	[sflag:s26] =	ssyncset.done $0x0  }
0x19c: {  	[sflag:s26] =	ssyncadd.s32 $0xFFFFFFC0  }
0x19d: {  	[spmem:s18] =	stream.indirect.scatter [tilespmem:s25], [sflag:$0x3], $0x80, s30, s31, $0xb8;
	[tilespmem:$0x1DD00] =	vst v63  }
0x19e: {  	_ =	swait.ge [sflag:s26], $0x2000  }
0x19f: {  	[sflag:s26] =	ssyncset.done $0x0  }
0x1a0: {  	s8 =	rddreg [dreg:$0xa];
	[sflag:s26] =	ssyncadd.s32 $0xFFFFE000  }
0x1a1: {  	[tilespmem:s30], [sflag:$0x3] =	stream.linear.gather [hbm4b:s8+s0], $0x40, $0x38;
	[tilespmem:$0x1DD00] =	vst v63  }
0x1a2: {  	_ =	swait.ge [sflag:s26], $0x40  }
0x1a3: {  	[sflag:s26] =	ssyncset.done $0x0  }
0x1a4: {  	[sflag:s26] =	ssyncadd.s32 $0xFFFFFFC0  }
0x1a5: {  	[spmem:s18] =	stream.indirect.scatter [tilespmem:s25], [sflag:$0x3], $0x80, s30, s31, $0xb8;
	[tilespmem:$0x1DD00] =	vst v63  }
0x1a6: {  	_ =	swait.ge [sflag:s26], $0x2000  }
0x1a7: {  	[sflag:s26] =	ssyncset.done $0x0  }
0x1a8: {  	[sflag:s26] =	ssyncadd.s32 $0xFFFFE000  }
0x1a9: {  	[tilespmem:s30], [sflag:$0x3] =	stream.linear.gather [hbm4b:s9+s0], $0x40, $0x38;
	[tilespmem:$0x1DD00] =	vst v63  }
0x1aa: {  	_ =	swait.ge [sflag:s26], $0x40  }
0x1ab: {  	[sflag:s26] =	ssyncset.done $0x0  }
0x1ac: {  	[sflag:s26] =	ssyncadd.s32 $0xFFFFFFC0  }
0x1ad: {  	[spmem:s18] =	stream.indirect.scatter [tilespmem:s25], [sflag:$0x3], $0x80, s30, s31, $0xb8;
	[tilespmem:$0x1DD00] =	vst v63  }
0x1ae: {  	_ =	swait.ge [sflag:s26], $0x2000  }
0x1af: {  	[sflag:s26] =	ssyncset.done $0x0  }
0x1b0: {  	s6 =	rddreg [dreg:$0xb];
	[sflag:s26] =	ssyncadd.s32 $0xFFFFE000  }
0x1b1: {  	[tilespmem:s30], [sflag:$0x3] =	stream.linear.gather [hbm4b:s6+s0], $0x40, $0x38;
	[tilespmem:$0x1DD00] =	vst v63  }
0x1b2: {  	_ =	swait.ge [sflag:s26], $0x40  }
0x1b3: {  	[sflag:s26] =	ssyncset.done $0x0  }
0x1b4: {  	[sflag:s26] =	ssyncadd.s32 $0xFFFFFFC0  }
0x1b5: {  	[spmem:s18] =	stream.indirect.scatter [tilespmem:s25], [sflag:$0x3], $0x80, s30, s31, $0xb8;
	[tilespmem:$0x1DD00] =	vst v63  }
0x1b6: {  	_ =	swait.ge [sflag:s26], $0x2000  }
0x1b7: {  	s7 =	sld [smem:$0x7F8]  }
0x1b8: {  	[sflag:s26] =	ssyncset.done $0x0  }
0x1b9: {  	[sflag:s26] =	ssyncadd.s32 $0xFFFFE000  }
0x1ba: {  	[tilespmem:s30], [sflag:$0x3] =	stream.linear.gather [hbm4b:s7+s0], $0x40, $0x38;
	[tilespmem:$0x1DD00] =	vst v63  }
0x1bb: {  	_ =	swait.ge [sflag:s26], $0x40  }
0x1bc: {  	[sflag:s26] =	ssyncset.done $0x0  }
0x1bd: {  	[sflag:s26] =	ssyncadd.s32 $0xFFFFFFC0  }
0x1be: {  	[spmem:s18] =	stream.indirect.scatter [tilespmem:s25], [sflag:$0x3], $0x80, s30, s31, $0xb8;
	[tilespmem:$0x1DD00] =	vst v63  }
0x1bf: {  	_ =	swait.ge [sflag:s26], $0x2000  }
0x1c0: {  	[sflag:s26] =	ssyncset.done $0x0  }
0x1c1: {  	[sflag:s26] =	ssyncadd.s32 $0xFFFFE000  }
0x1c2: {  	[bflag:$0x0] =	sbarrier.arrive $0xFFFF  }
0x1c3: {  	[tilespmem:s12], [sflag:$0x3] =	stream.linear.gather [hbm4b:s13+s0], $0x50, $0x38;
	[tilespmem:$0x1DD00] =	vst v63  }
0x1c4: {  	_ =	swait.ge [sflag:s26], $0x50  }
0x1c5: {  	[sflag:s26] =	ssyncset.done $0x0  }
0x1c6: {  	[sflag:s26] =	ssyncadd.s32 $0xFFFFFFB0  }
0x1c7: {  	[spmem:s18] =	stream.indirect.scatter.add.f32 [tilespmem:s28], [sflag:$0x1], $0x80, s12, s14, $0xb8;
	[tilespmem:$0x1DD00] =	vst v63  }
0x1c8: {  	_ = 	snop  }
0x1c9: {  	[tilespmem:s23], [sflag:$0x3] =	stream.linear.gather [hbm4b:s11+s0], $0x50, $0x38;
	[tilespmem:$0x1DD00] =	vst v63  }
0x1ca: {  	_ =	swait.ge [sflag:s26], $0x50  }
0x1cb: {  	[sflag:s26] =	ssyncset.done $0x0  }
0x1cc: {  	[sflag:s26] =	ssyncadd.s32 $0xFFFFFFB0  }
0x1cd: {  	[spmem:s18] =	stream.indirect.scatter.add.f32 [tilespmem:s28], [sflag:$0x2], $0x80, s23, s14, $0xb8;
	[tilespmem:$0x1DD00] =	vst v63  }
0x1ce: {  	_ =	swait.ge [sflag:s2], $0x2800  }
0x1cf: {  	s8 =	smov.u32 s9;
	s9 =	sadd.s32 $0xFFFFB3C0, s19;
	[sflag:s2] =	ssyncset.done $0x0  }
0x1d0: {  	s6 =	sadd.s32 $0x4D80, s9;
	[sflag:s2] =	ssyncadd.s32 $0xFFFFD800  }
0x1d1: {  	[tilespmem:s12], [sflag:$0x3] =	stream.linear.gather [hbm4b:s6+s0], $0x50, $0x38;
	[tilespmem:$0x1DD00] =	vst v63  }
0x1d2: {  	_ =	swait.ge [sflag:s26], $0x50  }
0x1d3: {  	[sflag:s26] =	ssyncset.done $0x0  }
0x1d4: {  	[sflag:s26] =	ssyncadd.s32 $0xFFFFFFB0  }
0x1d5: {  	[spmem:s18] =	stream.indirect.scatter.add.f32 [tilespmem:s28], [sflag:$0x1], $0x80, s12, s14, $0xb8;
	[tilespmem:$0x1DD00] =	vst v63  }
0x1d6: {  	_ =	swait.ge [sflag:s3], $0x2800  }
0x1d7: {  	[sflag:s3] =	ssyncset.done $0x0  }
0x1d8: {  	s5 =	sadd.s32 $0x4E20, s9;
	[sflag:s3] =	ssyncadd.s32 $0xFFFFD800  }
0x1d9: {  	[tilespmem:s23], [sflag:$0x3] =	stream.linear.gather [hbm4b:s5+s0], $0x50, $0x38;
	[tilespmem:$0x1DD00] =	vst v63  }
0x1da: {  	_ =	swait.ge [sflag:s26], $0x50  }
0x1db: {  	[sflag:s26] =	ssyncset.done $0x0  }
0x1dc: {  	s5 =	simm.s32 $0xFFFFB500;
	[sflag:s26] =	ssyncadd.s32 $0xFFFFFFB0  }
.LBB2_4:
0x1dd: {  	[spmem:s18] =	stream.indirect.scatter.add.f32 [tilespmem:s28], [sflag:$0x2], $0x80, s23, s14, $0xb8;
	[tilespmem:$0x1DD00] =	vst v63  }
0x1de: {  	s6 =	smov.u32 s5  }
0x1df: {  	p0 =	sne.s32 s5, $0xFFFFFEC0;
	s5 =	sadd.s32 $0x140, s5;
	_ =	swait.ge [sflag:s2], $0x2800  }
0x1e0: {  	s6 =	sadd.s32 s6, s19;
	[sflag:s2] =	ssyncset.done $0x0  }
0x1e1: {  	s7 =	sadd.s32 $0x4D80, s6;
	[sflag:s2] =	ssyncadd.s32 $0xFFFFD800  }
0x1e2: {  	[tilespmem:s12], [sflag:$0x3] =	stream.linear.gather [hbm4b:s7+s0], $0x50, $0x38;
	[tilespmem:$0x1DD00] =	vst v63  }
0x1e3: {  	_ =	swait.ge [sflag:s26], $0x50  }
0x1e4: {  	[sflag:s26] =	ssyncset.done $0x0  }
0x1e5: {  	[sflag:s26] =	ssyncadd.s32 $0xFFFFFFB0  }
0x1e6: {  	[spmem:s18] =	stream.indirect.scatter.add.f32 [tilespmem:s28], [sflag:$0x1], $0x80, s12, s14, $0xb8;
	[tilespmem:$0x1DD00] =	vst v63  }
0x1e7: {  	_ =	swait.ge [sflag:s3], $0x2800  }
0x1e8: {  	[sflag:s3] =	ssyncset.done $0x0  }
.Ltmp1:
0x1e9: {  	s6 =	sadd.s32 $0x4E20, s6;
	[sflag:s3] =	ssyncadd.s32 $0xFFFFD800;
	(pc) =	sbr.rel @p0 .LBB2_4-.Ltmp1, $4  }
0x1ea: {  	[tilespmem:s23], [sflag:$0x3] =	stream.linear.gather [hbm4b:s6+s0], $0x50, $0x38;
	[tilespmem:$0x1DD00] =	vst v63  }
0x1eb: {  	_ =	swait.ge [sflag:s26], $0x50  }
0x1ec: {  	[sflag:s26] =	ssyncset.done $0x0  }
0x1ed: {  	[sflag:s26] =	ssyncadd.s32 $0xFFFFFFB0  }
0x1ee: {  	[spmem:s18] =	stream.indirect.scatter.add.f32 [tilespmem:s28], [sflag:$0x2], $0x80, s23, s14, $0xb8;
	[tilespmem:$0x1DD00] =	vst v63  }
0x1ef: {  	_ =	swait.ge [sflag:s2], $0x2800  }
0x1f0: {  	s5 =	sld [smem:$0x7FC]  }
0x1f1: {  	[sflag:s2] =	ssyncset.done $0x0  }
0x1f2: {  	[sflag:s2] =	ssyncadd.s32 $0xFFFFD800  }
0x1f3: {  	[tilespmem:s12], [sflag:$0x3] =	stream.linear.gather [hbm4b:s5+s0], $0x50, $0x38;
	[tilespmem:$0x1DD00] =	vst v63  }
0x1f4: {  	_ =	swait.ge [sflag:s26], $0x50  }
0x1f5: {  	[sflag:s26] =	ssyncset.done $0x0  }
0x1f6: {  	[sflag:s26] =	ssyncadd.s32 $0xFFFFFFB0  }
0x1f7: {  	[spmem:s18] =	stream.indirect.scatter.add.f32 [tilespmem:s28], [sflag:$0x1], $0x80, s12, s14, $0xb8;
	[tilespmem:$0x1DD00] =	vst v63  }
0x1f8: {  	_ =	swait.ge [sflag:s3], $0x2800  }
0x1f9: {  	[sflag:s3] =	ssyncset.done $0x0  }
0x1fa: {  	[sflag:s3] =	ssyncadd.s32 $0xFFFFD800  }
0x1fb: {  	_ =	swait.ge [sflag:s2], $0x2800  }
0x1fc: {  	[sflag:s2] =	ssyncset.done $0x0  }
0x1fd: {  	[sflag:s2] =	ssyncadd.s32 $0xFFFFD800  }
0x1fe: {  	s6 =	simm.s32 $0x9A00;
	[bflag:$0x0] =	sbarrier.arrive $0xFFFF  }
0x1ff: {  	[tilespmem:s25], [sflag:$0x1] =	stream.indirect.gather [spmem:s18], $0x80, s6, s31, $0xb8;
	[tilespmem:$0x1DD00] =	vst v63  }
0x200: {  	_ =	swait.ge [sflag:s2], $0x2000  }
0x201: {  	[sflag:s2] =	ssyncset.done $0x0  }
0x202: {  	s9 =	rddreg [dreg:$0x16];
	[sflag:s2] =	ssyncadd.s32 $0xFFFFE000  }
0x203: {  	[hbm4b:s9+s0] =	stream.linear.scatter [tilespmem:s25], [sflag:$0x3], $0x2000, $0x38;
	[tilespmem:$0x1DD00] =	vst v63  }
0x204: {  	_ =	swait.ge [sflag:s26], $0x2000  }
0x205: {  	[sflag:s26] =	ssyncset.done $0x0  }
0x206: {  	[sflag:s26] =	ssyncadd.s32 $0xFFFFE000  }
0x207: {  	[tilespmem:s25], [sflag:$0x1] =	stream.indirect.gather [spmem:s18], $0x80, s10, s31, $0xb8;
	[tilespmem:$0x1DD00] =	vst v63  }
0x208: {  	_ =	swait.ge [sflag:s2], $0x2000  }
0x209: {  	[sflag:s2] =	ssyncset.done $0x0  }
0x20a: {  	s7 =	rddreg [dreg:$0x17];
	[sflag:s2] =	ssyncadd.s32 $0xFFFFE000  }
0x20b: {  	[hbm4b:s7+s0] =	stream.linear.scatter [tilespmem:s25], [sflag:$0x3], $0x2000, $0x38;
	[tilespmem:$0x1DD00] =	vst v63  }
0x20c: {  	_ =	swait.ge [sflag:s26], $0x2000  }
0x20d: {  	[sflag:s26] =	ssyncset.done $0x0  }
0x20e: {  	s9 =	simm.s32 $0x9A80;
	[sflag:s26] =	ssyncadd.s32 $0xFFFFE000  }
0x20f: {  	[tilespmem:s25], [sflag:$0x1] =	stream.indirect.gather [spmem:s18], $0x80, s9, s31, $0xb8;
	[tilespmem:$0x1DD00] =	vst v63  }
0x210: {  	_ =	swait.ge [sflag:s2], $0x2000  }
0x211: {  	[sflag:s2] =	ssyncset.done $0x0  }
0x212: {  	s10 =	rddreg [dreg:$0x18];
	[sflag:s2] =	ssyncadd.s32 $0xFFFFE000  }
0x213: {  	[hbm4b:s10+s0] =	stream.linear.scatter [tilespmem:s25], [sflag:$0x3], $0x2000, $0x38;
	[tilespmem:$0x1DD00] =	vst v63  }
0x214: {  	_ =	swait.ge [sflag:s26], $0x2000  }
0x215: {  	[sflag:s26] =	ssyncset.done $0x0  }
0x216: {  	s7 =	simm.s32 $0x9AC0;
	[sflag:s26] =	ssyncadd.s32 $0xFFFFE000  }
0x217: {  	[tilespmem:s25], [sflag:$0x1] =	stream.indirect.gather [spmem:s18], $0x80, s7, s31, $0xb8;
	[tilespmem:$0x1DD00] =	vst v63  }
0x218: {  	_ =	swait.ge [sflag:s2], $0x2000  }
0x219: {  	[sflag:s2] =	ssyncset.done $0x0  }
0x21a: {  	s9 =	rddreg [dreg:$0x19];
	[sflag:s2] =	ssyncadd.s32 $0xFFFFE000  }
0x21b: {  	[hbm4b:s9+s0] =	stream.linear.scatter [tilespmem:s25], [sflag:$0x3], $0x2000, $0x38;
	[tilespmem:$0x1DD00] =	vst v63  }
0x21c: {  	_ =	swait.ge [sflag:s26], $0x2000  }
0x21d: {  	[sflag:s26] =	ssyncset.done $0x0  }
0x21e: {  	s10 =	simm.s32 $0x9B00;
	[sflag:s26] =	ssyncadd.s32 $0xFFFFE000  }
0x21f: {  	[tilespmem:s25], [sflag:$0x1] =	stream.indirect.gather [spmem:s18], $0x80, s10, s31, $0xb8;
	[tilespmem:$0x1DD00] =	vst v63  }
0x220: {  	_ =	swait.ge [sflag:s2], $0x2000  }
0x221: {  	[sflag:s2] =	ssyncset.done $0x0  }
0x222: {  	s7 =	rddreg [dreg:$0x1a];
	[sflag:s2] =	ssyncadd.s32 $0xFFFFE000  }
0x223: {  	[hbm4b:s7+s0] =	stream.linear.scatter [tilespmem:s25], [sflag:$0x3], $0x2000, $0x38;
	[tilespmem:$0x1DD00] =	vst v63  }
0x224: {  	_ =	swait.ge [sflag:s26], $0x2000  }
0x225: {  	[sflag:s26] =	ssyncset.done $0x0  }
0x226: {  	s9 =	simm.s32 $0x9B40;
	[sflag:s26] =	ssyncadd.s32 $0xFFFFE000  }
0x227: {  	[tilespmem:s25], [sflag:$0x1] =	stream.indirect.gather [spmem:s18], $0x80, s9, s31, $0xb8;
	[tilespmem:$0x1DD00] =	vst v63  }
0x228: {  	_ =	swait.ge [sflag:s2], $0x2000  }
0x229: {  	[sflag:s2] =	ssyncset.done $0x0  }
0x22a: {  	s10 =	rddreg [dreg:$0x1b];
	[sflag:s2] =	ssyncadd.s32 $0xFFFFE000  }
0x22b: {  	[hbm4b:s10+s0] =	stream.linear.scatter [tilespmem:s25], [sflag:$0x3], $0x2000, $0x38;
	[tilespmem:$0x1DD00] =	vst v63  }
0x22c: {  	_ =	swait.ge [sflag:s26], $0x2000  }
0x22d: {  	[sflag:s26] =	ssyncset.done $0x0  }
0x22e: {  	s7 =	simm.s32 $0x9B80;
	[sflag:s26] =	ssyncadd.s32 $0xFFFFE000  }
0x22f: {  	[tilespmem:s25], [sflag:$0x1] =	stream.indirect.gather [spmem:s18], $0x80, s7, s31, $0xb8;
	[tilespmem:$0x1DD00] =	vst v63  }
0x230: {  	_ =	swait.ge [sflag:s2], $0x2000  }
0x231: {  	[sflag:s2] =	ssyncset.done $0x0  }
0x232: {  	s9 =	rddreg [dreg:$0x1c];
	[sflag:s2] =	ssyncadd.s32 $0xFFFFE000  }
0x233: {  	[hbm4b:s9+s0] =	stream.linear.scatter [tilespmem:s25], [sflag:$0x3], $0x2000, $0x38;
	[tilespmem:$0x1DD00] =	vst v63  }
0x234: {  	_ =	swait.ge [sflag:s26], $0x2000  }
0x235: {  	[sflag:s26] =	ssyncset.done $0x0  }
0x236: {  	s10 =	simm.s32 $0x9BC0;
	[sflag:s26] =	ssyncadd.s32 $0xFFFFE000  }
0x237: {  	[tilespmem:s25], [sflag:$0x1] =	stream.indirect.gather [spmem:s18], $0x80, s10, s31, $0xb8;
	[tilespmem:$0x1DD00] =	vst v63  }
0x238: {  	_ =	swait.ge [sflag:s2], $0x2000  }
0x239: {  	[sflag:s2] =	ssyncset.done $0x0  }
0x23a: {  	s7 =	rddreg [dreg:$0x1d];
	[sflag:s2] =	ssyncadd.s32 $0xFFFFE000  }
0x23b: {  	[hbm4b:s7+s0] =	stream.linear.scatter [tilespmem:s25], [sflag:$0x3], $0x2000, $0x38;
	[tilespmem:$0x1DD00] =	vst v63  }
0x23c: {  	_ =	swait.ge [sflag:s26], $0x2000  }
0x23d: {  	[sflag:s26] =	ssyncset.done $0x0  }
0x23e: {  	s9 =	simm.s32 $0x9C00;
	[sflag:s26] =	ssyncadd.s32 $0xFFFFE000  }
0x23f: {  	[tilespmem:s25], [sflag:$0x1] =	stream.indirect.gather [spmem:s18], $0x80, s9, s31, $0xb8;
	[tilespmem:$0x1DD00] =	vst v63  }
0x240: {  	_ =	swait.ge [sflag:s2], $0x2000  }
0x241: {  	[sflag:s2] =	ssyncset.done $0x0  }
0x242: {  	s10 =	rddreg [dreg:$0x1e];
	[sflag:s2] =	ssyncadd.s32 $0xFFFFE000  }
0x243: {  	[hbm4b:s10+s0] =	stream.linear.scatter [tilespmem:s25], [sflag:$0x3], $0x2000, $0x38;
	[tilespmem:$0x1DD00] =	vst v63  }
0x244: {  	_ =	swait.ge [sflag:s26], $0x2000  }
0x245: {  	[sflag:s26] =	ssyncset.done $0x0  }
0x246: {  	s7 =	simm.s32 $0x9C40;
	[sflag:s26] =	ssyncadd.s32 $0xFFFFE000  }
0x247: {  	[tilespmem:s25], [sflag:$0x1] =	stream.indirect.gather [spmem:s18], $0x80, s7, s31, $0xb8;
	[tilespmem:$0x1DD00] =	vst v63  }
0x248: {  	_ =	swait.ge [sflag:s2], $0x2000  }
0x249: {  	[sflag:s2] =	ssyncset.done $0x0  }
0x24a: {  	s9 =	rddreg [dreg:$0x1f];
	[sflag:s2] =	ssyncadd.s32 $0xFFFFE000  }
0x24b: {  	[hbm4b:s9+s0] =	stream.linear.scatter [tilespmem:s25], [sflag:$0x3], $0x2000, $0x38;
	[tilespmem:$0x1DD00] =	vst v63  }
0x24c: {  	_ =	swait.ge [sflag:s26], $0x2000  }
0x24d: {  	s10 =	sld [smem:$0x7FD];
	_ =	sdelay $0x1  }
0x24e: {  	s4 =	sadd.s32 $0x1, s4  }
0x24f: {  	p0 =	sne.s32 s4, s10  }
.Ltmp2:
0x250: {  	_ = 	snop;
	(pc) =	sbr.rel @p0 .LBB2_1-.Ltmp2, $3  }
0x251: {  	_ =	sdelay $0x1  }
0x252: {  	[sflag:s26] =	ssyncset.done $0x0  }
0x253: {  	[sflag:s26] =	ssyncadd.s32 $0xFFFFE000  }
0x254: {  	_ =	sfence.sel $0x180000  }
0x255: {  	[bflag:$0x0] =	sbarrier.arrive $0xFFFF  }
0x256: {  	_ =	strace $0x90000047  }
0x257: {  	s0 =	stileid.u32;
	[bflag:$0x2] =	sbarrier.arrive $0xFFFF  }
0x258: {  	p0 =	sne.s32 s0, $0x0;
	s0 =	rddreg [dreg:$0x4]  }
0x259: {  	s0 =	sadd.s32 @!p0 $0x100000, s0  }
0x25a: {  	[sflag:s0] =	ssyncadd.tile.s32 @!p0 $0x1;
	_ =	shalt  }
.Lfunc_end2:
_tile_overlayer_lowered:
.L_overlay_start_2:
0x25b: {  	(tag) =	ssettag $0x2  }
0x25c: {  	s0 =	rddreg [dreg:$0x0];
	s2 =	stileid.u32  }
0x25d: {  	s1 =	rddreg [dreg:$0x1];
	p0 =	sne.s32 s2, $0x0  }
0x25e: {  	s3 =	rddreg [dreg:$0x2];
	[bflag:$0x3] =	sbarrier.arrive $0xFFFF;
	s2 =	simm.s32 @!p0 $0x1C03  }
0x25f: {  	[timem:s3], [sflag:s2] =	dma.local @!p0 [hbm:s0], s1  }
0x260: {  	s0 =	simm.s32 @!p0 $0x3  }
0x261: {  	_ =	swait.ge @!p0 [sflag:s0], s1  }
0x262: {  	s1 =	ssub.s32 @!p0 $0x0, s1;
	[sflag:s0] =	ssyncset.done @!p0 $0x0  }
0x263: {  	[sflag:s0] =	ssyncadd.s32 @!p0 s1  }
0x264: {  	[bflag:$0x3] =	sbarrier.arrive $0xFFFF  }
0x265: {  	_ =	shalt  }

</sc_bundles>
